<compile_context>
chip_gen: v7x
topology: tpu7x:2x2x1
jax: 0.10.2.dev20260603
libtpu: 0.0.44.dev20260713+nightly
codegen_flags: <defaults>
</compile_context>

<pallas_src>
import functools

import jax
import jax.numpy as jnp
from jax import lax
from jax.experimental import pallas as pl
from jax.experimental.pallas import tpu as pltpu
from jax.experimental.pallas import tpu_sc as plsc

_NW = 32
_NB_FULL = 7812
_EDGE_ROWS = _NB_FULL * 128

_mesh = plsc.VectorSubcoreMesh(core_axis_name="c", subcore_axis_name="s")


def _iota16():
    return lax.iota(jnp.int32, 16)


@functools.partial(
    pl.kernel,
    mesh=_mesh,
    out_type=jax.ShapeDtypeStruct((500000, 128), jnp.float32),
    compiler_params=pltpu.CompilerParams(needs_layout_passes=False),
    scratch_types=[
        pltpu.VMEM((64, 130), jnp.float32),
        pltpu.VMEM((64, 130), jnp.float32),
        pltpu.VMEM((64, 128), jnp.float32),
        pltpu.VMEM((64, 128), jnp.float32),
        pltpu.SemaphoreType.DMA,
        pltpu.SemaphoreType.DMA,
        pltpu.SemaphoreType.DMA,
        pltpu.SemaphoreType.DMA,
    ],
)
def _transpose(table_t, edge, t2, blk0, blk1, tr0, tr1,
               bs0, bs1, os0, os1):
    wid = lax.axis_index("s") * 2 + lax.axis_index("c")
    nblk = jnp.where(wid < _NB_FULL % _NW, _NB_FULL // _NW + 1, _NB_FULL // _NW)
    blks = (blk0, blk1)
    trs = (tr0, tr1)
    bsems = (bs0, bs1)
    osems = (os0, os1)
    rows4 = [c0 * 16 + _iota16() for c0 in range(4)]

    def issue_blk(t, p):
        pltpu.async_copy(table_t.at[:, pl.ds(t * 128, 128)],
                         blks[p].at[:, pl.ds(0, 128)], bsems[p])

    def wait_blk(p):
        pltpu.make_async_copy(
            table_t.at[:, pl.ds(0, 128)],
            blks[p].at[:, pl.ds(0, 128)], bsems[p]).wait()

    def start_out(t, p):
        pltpu.async_copy(trs[p], t2.at[pl.ds(t * 64, 64), :], osems[p])

    def wait_out(p):
        pltpu.make_async_copy(
            trs[p], t2.at[pl.ds(0, 64), :], osems[p]).wait()

    def transpose_blk(blk, tr):
        @plsc.parallel_loop(0, 64, step=1, unroll=4)
        def _(q):
            for half in range(2):
                col = jnp.full((16,), 2 * q + half, jnp.int32)
                for c0 in range(4):
                    vals = plsc.load_gather(blk, [rows4[c0], col])
                    tr[q, pl.ds(half * 64 + c0 * 16, 16)] = vals

    issue_blk(wid, 0)

    def outer(m, carry):
        for p in range(2):
            k = 2 * m + p

            @pl.when(k < nblk)
            def _():
                @pl.when(k + 1 < nblk)
                def _():
                    issue_blk(wid + _NW * (k + 1), 1 - p)
                wait_blk(p)

                @pl.when(k >= 2)
                def _():
                    wait_out(p)
                transpose_blk(blks[p], trs[p])
                start_out(wid + _NW * k, p)
        return carry

    lax.fori_loop(0, (_NB_FULL // _NW + 2) // 2, outer, 0)
    wait_out(0)
    wait_out(1)

    @pl.when(wid == 0)
    def _():
        pltpu.sync_copy(edge, tr0.at[pl.ds(0, 32), :])
        pltpu.sync_copy(tr0.at[pl.ds(0, 32), :], t2.at[pl.ds(499968, 32), :])


_PER_W = 50 * 128 // _NW


@functools.partial(
    pl.kernel,
    mesh=_mesh,
    out_type=jax.ShapeDtypeStruct((50, 8, 128, 8, 128), jnp.float32),
    compiler_params=pltpu.CompilerParams(
        use_tc_tiling_on_sc=False, needs_layout_passes=False),
    scratch_types=[
        pltpu.VMEM((128,), jnp.int32),
        pltpu.VMEM((128,), jnp.int32),
        pltpu.VMEM((128, 64), jnp.float32),
        pltpu.VMEM((128, 64), jnp.float32),
        pltpu.VMEM((8, 8, 129), jnp.float32),
        pltpu.VMEM((8, 8, 129), jnp.float32),
        pltpu.SemaphoreType.DMA,
        pltpu.SemaphoreType.DMA,
        pltpu.SemaphoreType.DMA,
        pltpu.SemaphoreType.DMA,
    ],
)
def _gather(t_lin, idx, o5, iv0, iv1, gv0, gv1, tv0, tv1,
            gs0, gs1, os0, os1):
    wid = lax.axis_index("s") * 2 + lax.axis_index("c")
    ivs = (iv0, iv1)
    gvs = (gv0, gv1)
    tvs = (tv0, tv1)
    gsems = (gs0, gs1)
    osems = (os0, os1)
    rows8 = [c0 * 16 + _iota16() for c0 in range(8)]

    def issue_unit(u, p):
        s = u // 128
        t = u % 128
        pltpu.sync_copy(idx.at[pl.ds(s * 16384 + t * 128, 128)], ivs[p])
        pltpu.async_copy(t_lin.at[ivs[p]], gvs[p], gsems[p])

    def wait_g(p):
        pltpu.make_async_copy(t_lin.at[ivs[p]], gvs[p], gsems[p]).wait()

    def start_out(u, p):
        s = u // 128
        t = u % 128
        pltpu.async_copy(
            tvs[p].at[:, :, pl.ds(0, 128)], o5.at[s, :, t], osems[p])

    def wait_out(p):
        pltpu.make_async_copy(
            tvs[p].at[:, :, pl.ds(0, 128)], o5.at[0, :, 0], osems[p]).wait()

    dvecs = [c0 * 16 + _iota16() for c0 in range(4)]
    gvecs = [d // 8 for d in dvecs]
    ivecs = [d % 8 for d in dvecs]

    def transpose_unit(gv, tv):
        @plsc.parallel_loop(0, 128, step=1, unroll=4)
        def _(j):
            jv = jnp.full((16,), j, jnp.int32)
            for c0 in range(4):
                vals = gv[j, pl.ds(c0 * 16, 16)]
                plsc.store_scatter(tv, [gvecs[c0], ivecs[c0], jv], vals)

    issue_unit(wid * _PER_W, 0)

    def outer(m, carry):
        for p in range(2):
            k = 2 * m + p
            u = wid * _PER_W + k

            @pl.when(k + 1 < _PER_W)
            def _():
                issue_unit(u + 1, 1 - p)
            wait_g(p)

            @pl.when(k >= 2)
            def _():
                wait_out(p)
            transpose_unit(gvs[p], tvs[p])
            start_out(u, p)
        return carry

    lax.fori_loop(0, _PER_W // 2, outer, 0)
    wait_out(0)
    wait_out(1)


def kernel(batch_data, item_embeddings):
    idx_t = batch_data.T.reshape(-1).astype(jnp.int32)
    o5 = _gather(item_embeddings, idx_t)
    return o5.transpose(2, 4, 0, 1, 3).reshape(16384, 50, 64)

# --- scband reference (transcript-rebuilt; emitter-appended) ---
"""Pipeline reference for scband-kgatitem-encoder-9466107920589 (READ-ONLY COPY).

The authoritative reference and input builder live on the scoring server;
editing this copy changes nothing except your own understanding.
"""

import jax, jax.numpy as jnp
import numpy as np


def setup_inputs(seed: int = 0) -> dict:
    key = jax.random.key(seed)
    k1, k2 = jax.random.split(key)
    batch_data = jax.random.randint(k1, (16384, 50), 0, 1000000, dtype=jnp.int64) if jax.config.read('jax_enable_x64') else jax.random.randint(k1, (16384, 50), 0, 1000000).astype(jnp.int32)
    item_embeddings = jax.random.normal(k2, (1000000, 64), dtype=jnp.float32)
    return {"batch_data": batch_data, "item_embeddings": item_embeddings}


def reference(batch_data, item_embeddings):
    # KGATItemEncoder.forward: self.item_embeddings[batch_data]
    return jnp.take(item_embeddings, batch_data, axis=0)

if __name__ == "__main__":
    import jax
    _d = setup_inputs()
    print(jax.jit(kernel)(*tuple(_d.values())))

</pallas_src>

<mosaic_0001>
#map = affine_map<(d0, d1) -> (0, 0)>
#map1 = affine_map<(d0, d1) -> (0)>
#map2 = affine_map<(d0, d1) -> (0, 0, 0, 0, 0)>
module attributes {stable_mosaic.version = 14 : i64} {
  func.func @_gather(%arg0: i32, %arg1: i32, %arg2: memref<1000000x64xf32, #tpu.memory_space<hbm>>, %arg3: memref<819200xi32, #tpu.memory_space<hbm>>, %arg4: memref<50x8x128x8x128xf32, #tpu.memory_space<hbm>>, %arg5: memref<128xi32, #tpu.memory_space<vmem>>, %arg6: memref<128xi32, #tpu.memory_space<vmem>>, %arg7: memref<128x64xf32, #tpu.memory_space<vmem>>, %arg8: memref<128x64xf32, #tpu.memory_space<vmem>>, %arg9: memref<8x8x129xf32, #tpu.memory_space<vmem>>, %arg10: memref<8x8x129xf32, #tpu.memory_space<vmem>>, %arg11: memref<!tpu.dma_semaphore, #tpu.memory_space<semaphore_mem>>, %arg12: memref<!tpu.dma_semaphore, #tpu.memory_space<semaphore_mem>>, %arg13: memref<!tpu.dma_semaphore, #tpu.memory_space<semaphore_mem>>, %arg14: memref<!tpu.dma_semaphore, #tpu.memory_space<semaphore_mem>>) attributes {dimension_semantics = [#tpu.dimension_semantics<core_parallel>, #tpu.dimension_semantics<subcore_parallel>], iteration_bounds = array<i64: 2, 16>, scalar_prefetch = 0 : i64, scratch_operands = 10 : i64, tpu.core_type = #tpu.core_type<sc_vector_subcore>, window_params = [{transform_indices = #map}, {transform_indices = #map1}, {transform_indices = #map2}]} {
    %mul3A = arith.constant 2 : i32
    %mul3A_0 = arith.muli %arg1, %mul3A : i32
    %add3A = arith.addi %mul3A_0, %arg0 : i32
    %iota3A = tpu.iota {dimensions = array<i32: 0>} : vector<16xi32>
    %add3A_1 = arith.constant 0 : i32
    %add3A_2 = vector.broadcast %add3A_1 : i32 to vector<16xi32>
    %add3A_3 = arith.addi %add3A_2, %iota3A : vector<16xi32>
    %iota3A_4 = tpu.iota {dimensions = array<i32: 0>} : vector<16xi32>
    %add3A_5 = arith.constant 16 : i32
    %add3A_6 = vector.broadcast %add3A_5 : i32 to vector<16xi32>
    %add3A_7 = arith.addi %add3A_6, %iota3A_4 : vector<16xi32>
    %iota3A_8 = tpu.iota {dimensions = array<i32: 0>} : vector<16xi32>
    %add3A_9 = arith.constant 32 : i32
    %add3A_10 = vector.broadcast %add3A_9 : i32 to vector<16xi32>
    %add3A_11 = arith.addi %add3A_10, %iota3A_8 : vector<16xi32>
    %iota3A_12 = tpu.iota {dimensions = array<i32: 0>} : vector<16xi32>
    %add3A_13 = arith.constant 48 : i32
    %add3A_14 = vector.broadcast %add3A_13 : i32 to vector<16xi32>
    %add3A_15 = arith.addi %add3A_14, %iota3A_12 : vector<16xi32>
    %iota3A_16 = tpu.iota {dimensions = array<i32: 0>} : vector<16xi32>
    %add3A_17 = arith.constant 64 : i32
    %add3A_18 = vector.broadcast %add3A_17 : i32 to vector<16xi32>
    %add3A_19 = arith.addi %add3A_18, %iota3A_16 : vector<16xi32>
    %iota3A_20 = tpu.iota {dimensions = array<i32: 0>} : vector<16xi32>
    %add3A_21 = arith.constant 80 : i32
    %add3A_22 = vector.broadcast %add3A_21 : i32 to vector<16xi32>
    %add3A_23 = arith.addi %add3A_22, %iota3A_20 : vector<16xi32>
    %iota3A_24 = tpu.iota {dimensions = array<i32: 0>} : vector<16xi32>
    %add3A_25 = arith.constant 96 : i32
    %add3A_26 = vector.broadcast %add3A_25 : i32 to vector<16xi32>
    %add3A_27 = arith.addi %add3A_26, %iota3A_24 : vector<16xi32>
    %iota3A_28 = tpu.iota {dimensions = array<i32: 0>} : vector<16xi32>
    %add3A_29 = arith.constant 112 : i32
    %add3A_30 = vector.broadcast %add3A_29 : i32 to vector<16xi32>
    %add3A_31 = arith.addi %add3A_30, %iota3A_28 : vector<16xi32>
    %iota3A_32 = tpu.iota {dimensions = array<i32: 0>} : vector<16xi32>
    %add3A_33 = arith.constant 0 : i32
    %add3A_34 = vector.broadcast %add3A_33 : i32 to vector<16xi32>
    %add3A_35 = arith.addi %add3A_34, %iota3A_32 : vector<16xi32>
    %iota3A_36 = tpu.iota {dimensions = array<i32: 0>} : vector<16xi32>
    %add3A_37 = arith.constant 16 : i32
    %add3A_38 = vector.broadcast %add3A_37 : i32 to vector<16xi32>
    %add3A_39 = arith.addi %add3A_38, %iota3A_36 : vector<16xi32>
    %iota3A_40 = tpu.iota {dimensions = array<i32: 0>} : vector<16xi32>
    %add3A_41 = arith.constant 32 : i32
    %add3A_42 = vector.broadcast %add3A_41 : i32 to vector<16xi32>
    %add3A_43 = arith.addi %add3A_42, %iota3A_40 : vector<16xi32>
    %iota3A_44 = tpu.iota {dimensions = array<i32: 0>} : vector<16xi32>
    %add3A_45 = arith.constant 48 : i32
    %add3A_46 = vector.broadcast %add3A_45 : i32 to vector<16xi32>
    %add3A_47 = arith.addi %add3A_46, %iota3A_44 : vector<16xi32>
    %jit3A = arith.constant 8 : i32
    %div3A = vector.broadcast %jit3A : i32 to vector<16xi32>
    %div3A_48 = arith.divsi %add3A_35, %div3A : vector<16xi32>
    %sign3A = arith.constant 0 : i32
    %sign3A_49 = vector.broadcast %sign3A : i32 to vector<16xi32>
    %sign3A_50 = arith.cmpi sgt, %add3A_35, %sign3A_49 : vector<16xi32>
    %sign3A_51 = arith.extui %sign3A_50 : vector<16xi1> to vector<16xi32>
    %sign3A_52 = arith.constant 0 : i32
    %sign3A_53 = vector.broadcast %sign3A_52 : i32 to vector<16xi32>
    %sign3A_54 = arith.cmpi slt, %add3A_35, %sign3A_53 : vector<16xi32>
    %sign3A_55 = arith.extui %sign3A_54 : vector<16xi1> to vector<16xi32>
    %sign3A_56 = arith.subi %sign3A_51, %sign3A_55 : vector<16xi32>
    %sign3A_57 = arith.constant 0 : i32
    %sign3A_58 = arith.cmpi sgt, %jit3A, %sign3A_57 : i32
    %sign3A_59 = arith.extui %sign3A_58 : i1 to i32
    %sign3A_60 = arith.constant 0 : i32
    %sign3A_61 = arith.cmpi slt, %jit3A, %sign3A_60 : i32
    %sign3A_62 = arith.extui %sign3A_61 : i1 to i32
    %sign3A_63 = arith.subi %sign3A_59, %sign3A_62 : i32
    %ne3A = vector.broadcast %sign3A_63 : i32 to vector<16xi32>
    %ne3A_64 = arith.cmpi ne, %sign3A_56, %ne3A : vector<16xi32>
    %rem3A = vector.broadcast %jit3A : i32 to vector<16xi32>
    %rem3A_65 = arith.remsi %add3A_35, %rem3A : vector<16xi32>
    %ne3A_66 = arith.constant 0 : i32
    %ne3A_67 = vector.broadcast %ne3A_66 : i32 to vector<16xi32>
    %ne3A_68 = arith.cmpi ne, %rem3A_65, %ne3A_67 : vector<16xi32>
    %and3A = arith.andi %ne3A_64, %ne3A_68 : vector<16xi1>
    %sub3A = arith.constant 1 : i32
    %sub3A_69 = vector.broadcast %sub3A : i32 to vector<16xi32>
    %sub3A_70 = arith.subi %div3A_48, %sub3A_69 : vector<16xi32>
    %select_n3A = arith.select %and3A, %sub3A_70, %div3A_48 : vector<16xi1>, vector<16xi32>
    %jit3A_71 = arith.constant 8 : i32
    %div3A_72 = vector.broadcast %jit3A_71 : i32 to vector<16xi32>
    %div3A_73 = arith.divsi %add3A_39, %div3A_72 : vector<16xi32>
    %sign3A_74 = arith.constant 0 : i32
    %sign3A_75 = vector.broadcast %sign3A_74 : i32 to vector<16xi32>
    %sign3A_76 = arith.cmpi sgt, %add3A_39, %sign3A_75 : vector<16xi32>
    %sign3A_77 = arith.extui %sign3A_76 : vector<16xi1> to vector<16xi32>
    %sign3A_78 = arith.constant 0 : i32
    %sign3A_79 = vector.broadcast %sign3A_78 : i32 to vector<16xi32>
    %sign3A_80 = arith.cmpi slt, %add3A_39, %sign3A_79 : vector<16xi32>
    %sign3A_81 = arith.extui %sign3A_80 : vector<16xi1> to vector<16xi32>
    %sign3A_82 = arith.subi %sign3A_77, %sign3A_81 : vector<16xi32>
    %sign3A_83 = arith.constant 0 : i32
    %sign3A_84 = arith.cmpi sgt, %jit3A_71, %sign3A_83 : i32
    %sign3A_85 = arith.extui %sign3A_84 : i1 to i32
    %sign3A_86 = arith.constant 0 : i32
    %sign3A_87 = arith.cmpi slt, %jit3A_71, %sign3A_86 : i32
    %sign3A_88 = arith.extui %sign3A_87 : i1 to i32
    %sign3A_89 = arith.subi %sign3A_85, %sign3A_88 : i32
    %ne3A_90 = vector.broadcast %sign3A_89 : i32 to vector<16xi32>
    %ne3A_91 = arith.cmpi ne, %sign3A_82, %ne3A_90 : vector<16xi32>
    %rem3A_92 = vector.broadcast %jit3A_71 : i32 to vector<16xi32>
    %rem3A_93 = arith.remsi %add3A_39, %rem3A_92 : vector<16xi32>
    %ne3A_94 = arith.constant 0 : i32
    %ne3A_95 = vector.broadcast %ne3A_94 : i32 to vector<16xi32>
    %ne3A_96 = arith.cmpi ne, %rem3A_93, %ne3A_95 : vector<16xi32>
    %and3A_97 = arith.andi %ne3A_91, %ne3A_96 : vector<16xi1>
    %sub3A_98 = arith.constant 1 : i32
    %sub3A_99 = vector.broadcast %sub3A_98 : i32 to vector<16xi32>
    %sub3A_100 = arith.subi %div3A_73, %sub3A_99 : vector<16xi32>
    %select_n3A_101 = arith.select %and3A_97, %sub3A_100, %div3A_73 : vector<16xi1>, vector<16xi32>
    %jit3A_102 = arith.constant 8 : i32
    %div3A_103 = vector.broadcast %jit3A_102 : i32 to vector<16xi32>
    %div3A_104 = arith.divsi %add3A_43, %div3A_103 : vector<16xi32>
    %sign3A_105 = arith.constant 0 : i32
    %sign3A_106 = vector.broadcast %sign3A_105 : i32 to vector<16xi32>
    %sign3A_107 = arith.cmpi sgt, %add3A_43, %sign3A_106 : vector<16xi32>
    %sign3A_108 = arith.extui %sign3A_107 : vector<16xi1> to vector<16xi32>
    %sign3A_109 = arith.constant 0 : i32
    %sign3A_110 = vector.broadcast %sign3A_109 : i32 to vector<16xi32>
    %sign3A_111 = arith.cmpi slt, %add3A_43, %sign3A_110 : vector<16xi32>
    %sign3A_112 = arith.extui %sign3A_111 : vector<16xi1> to vector<16xi32>
    %sign3A_113 = arith.subi %sign3A_108, %sign3A_112 : vector<16xi32>
    %sign3A_114 = arith.constant 0 : i32
    %sign3A_115 = arith.cmpi sgt, %jit3A_102, %sign3A_114 : i32
    %sign3A_116 = arith.extui %sign3A_115 : i1 to i32
    %sign3A_117 = arith.constant 0 : i32
    %sign3A_118 = arith.cmpi slt, %jit3A_102, %sign3A_117 : i32
    %sign3A_119 = arith.extui %sign3A_118 : i1 to i32
    %sign3A_120 = arith.subi %sign3A_116, %sign3A_119 : i32
    %ne3A_121 = vector.broadcast %sign3A_120 : i32 to vector<16xi32>
    %ne3A_122 = arith.cmpi ne, %sign3A_113, %ne3A_121 : vector<16xi32>
    %rem3A_123 = vector.broadcast %jit3A_102 : i32 to vector<16xi32>
    %rem3A_124 = arith.remsi %add3A_43, %rem3A_123 : vector<16xi32>
    %ne3A_125 = arith.constant 0 : i32
    %ne3A_126 = vector.broadcast %ne3A_125 : i32 to vector<16xi32>
    %ne3A_127 = arith.cmpi ne, %rem3A_124, %ne3A_126 : vector<16xi32>
    %and3A_128 = arith.andi %ne3A_122, %ne3A_127 : vector<16xi1>
    %sub3A_129 = arith.constant 1 : i32
    %sub3A_130 = vector.broadcast %sub3A_129 : i32 to vector<16xi32>
    %sub3A_131 = arith.subi %div3A_104, %sub3A_130 : vector<16xi32>
    %select_n3A_132 = arith.select %and3A_128, %sub3A_131, %div3A_104 : vector<16xi1>, vector<16xi32>
    %jit3A_133 = arith.constant 8 : i32
    %div3A_134 = vector.broadcast %jit3A_133 : i32 to vector<16xi32>
    %div3A_135 = arith.divsi %add3A_47, %div3A_134 : vector<16xi32>
    %sign3A_136 = arith.constant 0 : i32
    %sign3A_137 = vector.broadcast %sign3A_136 : i32 to vector<16xi32>
    %sign3A_138 = arith.cmpi sgt, %add3A_47, %sign3A_137 : vector<16xi32>
    %sign3A_139 = arith.extui %sign3A_138 : vector<16xi1> to vector<16xi32>
    %sign3A_140 = arith.constant 0 : i32
    %sign3A_141 = vector.broadcast %sign3A_140 : i32 to vector<16xi32>
    %sign3A_142 = arith.cmpi slt, %add3A_47, %sign3A_141 : vector<16xi32>
    %sign3A_143 = arith.extui %sign3A_142 : vector<16xi1> to vector<16xi32>
    %sign3A_144 = arith.subi %sign3A_139, %sign3A_143 : vector<16xi32>
    %sign3A_145 = arith.constant 0 : i32
    %sign3A_146 = arith.cmpi sgt, %jit3A_133, %sign3A_145 : i32
    %sign3A_147 = arith.extui %sign3A_146 : i1 to i32
    %sign3A_148 = arith.constant 0 : i32
    %sign3A_149 = arith.cmpi slt, %jit3A_133, %sign3A_148 : i32
    %sign3A_150 = arith.extui %sign3A_149 : i1 to i32
    %sign3A_151 = arith.subi %sign3A_147, %sign3A_150 : i32
    %ne3A_152 = vector.broadcast %sign3A_151 : i32 to vector<16xi32>
    %ne3A_153 = arith.cmpi ne, %sign3A_144, %ne3A_152 : vector<16xi32>
    %rem3A_154 = vector.broadcast %jit3A_133 : i32 to vector<16xi32>
    %rem3A_155 = arith.remsi %add3A_47, %rem3A_154 : vector<16xi32>
    %ne3A_156 = arith.constant 0 : i32
    %ne3A_157 = vector.broadcast %ne3A_156 : i32 to vector<16xi32>
    %ne3A_158 = arith.cmpi ne, %rem3A_155, %ne3A_157 : vector<16xi32>
    %and3A_159 = arith.andi %ne3A_153, %ne3A_158 : vector<16xi1>
    %sub3A_160 = arith.constant 1 : i32
    %sub3A_161 = vector.broadcast %sub3A_160 : i32 to vector<16xi32>
    %sub3A_162 = arith.subi %div3A_135, %sub3A_161 : vector<16xi32>
    %select_n3A_163 = arith.select %and3A_159, %sub3A_162, %div3A_135 : vector<16xi1>, vector<16xi32>
    %jit3A_164 = arith.constant 8 : i32
    %eq3A = arith.constant 0 : i32
    %eq3A_165 = arith.cmpi eq, %jit3A_164, %eq3A : i32
    %jit3A_166 = arith.constant 1 : i32
    %select_n3A_167 = arith.select %eq3A_165, %jit3A_166, %jit3A_164 : i32
    %rem3A_168 = vector.broadcast %select_n3A_167 : i32 to vector<16xi32>
    %rem3A_169 = arith.remsi %add3A_35, %rem3A_168 : vector<16xi32>
    %ne3A_170 = arith.constant 0 : i32
    %ne3A_171 = vector.broadcast %ne3A_170 : i32 to vector<16xi32>
    %ne3A_172 = arith.cmpi ne, %rem3A_169, %ne3A_171 : vector<16xi32>
    %lt3A = arith.constant 0 : i32
    %lt3A_173 = vector.broadcast %lt3A : i32 to vector<16xi32>
    %lt3A_174 = arith.cmpi slt, %rem3A_169, %lt3A_173 : vector<16xi32>
    %lt3A_175 = arith.constant 0 : i32
    %lt3A_176 = arith.cmpi slt, %select_n3A_167, %lt3A_175 : i32
    %ne3A_177 = vector.broadcast %lt3A_176 : i1 to vector<16xi1>
    %ne3A_178 = vector.broadcast %ne3A_177 : vector<16xi1> to vector<16xi1>
    %ne3A_179 = arith.xori %lt3A_174, %ne3A_178 : vector<16xi1>
    %and3A_180 = arith.andi %ne3A_179, %ne3A_172 : vector<16xi1>
    %add3A_181 = vector.broadcast %select_n3A_167 : i32 to vector<16xi32>
    %add3A_182 = arith.addi %rem3A_169, %add3A_181 : vector<16xi32>
    %select_n3A_183 = arith.select %and3A_180, %add3A_182, %rem3A_169 : vector<16xi1>, vector<16xi32>
    %jit3A_184 = arith.constant 8 : i32
    %eq3A_185 = arith.constant 0 : i32
    %eq3A_186 = arith.cmpi eq, %jit3A_184, %eq3A_185 : i32
    %jit3A_187 = arith.constant 1 : i32
    %select_n3A_188 = arith.select %eq3A_186, %jit3A_187, %jit3A_184 : i32
    %rem3A_189 = vector.broadcast %select_n3A_188 : i32 to vector<16xi32>
    %rem3A_190 = arith.remsi %add3A_39, %rem3A_189 : vector<16xi32>
    %ne3A_191 = arith.constant 0 : i32
    %ne3A_192 = vector.broadcast %ne3A_191 : i32 to vector<16xi32>
    %ne3A_193 = arith.cmpi ne, %rem3A_190, %ne3A_192 : vector<16xi32>
    %lt3A_194 = arith.constant 0 : i32
    %lt3A_195 = vector.broadcast %lt3A_194 : i32 to vector<16xi32>
    %lt3A_196 = arith.cmpi slt, %rem3A_190, %lt3A_195 : vector<16xi32>
    %lt3A_197 = arith.constant 0 : i32
    %lt3A_198 = arith.cmpi slt, %select_n3A_188, %lt3A_197 : i32
    %ne3A_199 = vector.broadcast %lt3A_198 : i1 to vector<16xi1>
    %ne3A_200 = vector.broadcast %ne3A_199 : vector<16xi1> to vector<16xi1>
    %ne3A_201 = arith.xori %lt3A_196, %ne3A_200 : vector<16xi1>
    %and3A_202 = arith.andi %ne3A_201, %ne3A_193 : vector<16xi1>
    %add3A_203 = vector.broadcast %select_n3A_188 : i32 to vector<16xi32>
    %add3A_204 = arith.addi %rem3A_190, %add3A_203 : vector<16xi32>
    %select_n3A_205 = arith.select %and3A_202, %add3A_204, %rem3A_190 : vector<16xi1>, vector<16xi32>
    %jit3A_206 = arith.constant 8 : i32
    %eq3A_207 = arith.constant 0 : i32
    %eq3A_208 = arith.cmpi eq, %jit3A_206, %eq3A_207 : i32
    %jit3A_209 = arith.constant 1 : i32
    %select_n3A_210 = arith.select %eq3A_208, %jit3A_209, %jit3A_206 : i32
    %rem3A_211 = vector.broadcast %select_n3A_210 : i32 to vector<16xi32>
    %rem3A_212 = arith.remsi %add3A_43, %rem3A_211 : vector<16xi32>
    %ne3A_213 = arith.constant 0 : i32
    %ne3A_214 = vector.broadcast %ne3A_213 : i32 to vector<16xi32>
    %ne3A_215 = arith.cmpi ne, %rem3A_212, %ne3A_214 : vector<16xi32>
    %lt3A_216 = arith.constant 0 : i32
    %lt3A_217 = vector.broadcast %lt3A_216 : i32 to vector<16xi32>
    %lt3A_218 = arith.cmpi slt, %rem3A_212, %lt3A_217 : vector<16xi32>
    %lt3A_219 = arith.constant 0 : i32
    %lt3A_220 = arith.cmpi slt, %select_n3A_210, %lt3A_219 : i32
    %ne3A_221 = vector.broadcast %lt3A_220 : i1 to vector<16xi1>
    %ne3A_222 = vector.broadcast %ne3A_221 : vector<16xi1> to vector<16xi1>
    %ne3A_223 = arith.xori %lt3A_218, %ne3A_222 : vector<16xi1>
    %and3A_224 = arith.andi %ne3A_223, %ne3A_215 : vector<16xi1>
    %add3A_225 = vector.broadcast %select_n3A_210 : i32 to vector<16xi32>
    %add3A_226 = arith.addi %rem3A_212, %add3A_225 : vector<16xi32>
    %select_n3A_227 = arith.select %and3A_224, %add3A_226, %rem3A_212 : vector<16xi1>, vector<16xi32>
    %jit3A_228 = arith.constant 8 : i32
    %eq3A_229 = arith.constant 0 : i32
    %eq3A_230 = arith.cmpi eq, %jit3A_228, %eq3A_229 : i32
    %jit3A_231 = arith.constant 1 : i32
    %select_n3A_232 = arith.select %eq3A_230, %jit3A_231, %jit3A_228 : i32
    %rem3A_233 = vector.broadcast %select_n3A_232 : i32 to vector<16xi32>
    %rem3A_234 = arith.remsi %add3A_47, %rem3A_233 : vector<16xi32>
    %ne3A_235 = arith.constant 0 : i32
    %ne3A_236 = vector.broadcast %ne3A_235 : i32 to vector<16xi32>
    %ne3A_237 = arith.cmpi ne, %rem3A_234, %ne3A_236 : vector<16xi32>
    %lt3A_238 = arith.constant 0 : i32
    %lt3A_239 = vector.broadcast %lt3A_238 : i32 to vector<16xi32>
    %lt3A_240 = arith.cmpi slt, %rem3A_234, %lt3A_239 : vector<16xi32>
    %lt3A_241 = arith.constant 0 : i32
    %lt3A_242 = arith.cmpi slt, %select_n3A_232, %lt3A_241 : i32
    %ne3A_243 = vector.broadcast %lt3A_242 : i1 to vector<16xi1>
    %ne3A_244 = vector.broadcast %ne3A_243 : vector<16xi1> to vector<16xi1>
    %ne3A_245 = arith.xori %lt3A_240, %ne3A_244 : vector<16xi1>
    %and3A_246 = arith.andi %ne3A_245, %ne3A_237 : vector<16xi1>
    %add3A_247 = vector.broadcast %select_n3A_232 : i32 to vector<16xi32>
    %add3A_248 = arith.addi %rem3A_234, %add3A_247 : vector<16xi32>
    %select_n3A_249 = arith.select %and3A_246, %add3A_248, %rem3A_234 : vector<16xi1>, vector<16xi32>
    %mul3A_250 = arith.constant 200 : i32
    %mul3A_251 = arith.muli %add3A, %mul3A_250 : i32
    %jit3A_252 = arith.constant 128 : i32
    %div3A_253 = arith.divsi %mul3A_251, %jit3A_252 : i32
    %sign3A_254 = arith.constant 0 : i32
    %sign3A_255 = arith.cmpi sgt, %mul3A_251, %sign3A_254 : i32
    %sign3A_256 = arith.extui %sign3A_255 : i1 to i32
    %sign3A_257 = arith.constant 0 : i32
    %sign3A_258 = arith.cmpi slt, %mul3A_251, %sign3A_257 : i32
    %sign3A_259 = arith.extui %sign3A_258 : i1 to i32
    %sign3A_260 = arith.subi %sign3A_256, %sign3A_259 : i32
    %sign3A_261 = arith.constant 0 : i32
    %sign3A_262 = arith.cmpi sgt, %jit3A_252, %sign3A_261 : i32
    %sign3A_263 = arith.extui %sign3A_262 : i1 to i32
    %sign3A_264 = arith.constant 0 : i32
    %sign3A_265 = arith.cmpi slt, %jit3A_252, %sign3A_264 : i32
    %sign3A_266 = arith.extui %sign3A_265 : i1 to i32
    %sign3A_267 = arith.subi %sign3A_263, %sign3A_266 : i32
    %ne3A_268 = arith.cmpi ne, %sign3A_260, %sign3A_267 : i32
    %rem3A_269 = arith.remsi %mul3A_251, %jit3A_252 : i32
    %ne3A_270 = arith.constant 0 : i32
    %ne3A_271 = arith.cmpi ne, %rem3A_269, %ne3A_270 : i32
    %and3A_272 = arith.andi %ne3A_268, %ne3A_271 : i1
    %sub3A_273 = arith.constant 1 : i32
    %sub3A_274 = arith.subi %div3A_253, %sub3A_273 : i32
    %select_n3A_275 = arith.select %and3A_272, %sub3A_274, %div3A_253 : i32
    %jit3A_276 = arith.constant 128 : i32
    %eq3A_277 = arith.constant 0 : i32
    %eq3A_278 = arith.cmpi eq, %jit3A_276, %eq3A_277 : i32
    %jit3A_279 = arith.constant 1 : i32
    %select_n3A_280 = arith.select %eq3A_278, %jit3A_279, %jit3A_276 : i32
    %rem3A_281 = arith.remsi %mul3A_251, %select_n3A_280 : i32
    %ne3A_282 = arith.constant 0 : i32
    %ne3A_283 = arith.cmpi ne, %rem3A_281, %ne3A_282 : i32
    %lt3A_284 = arith.constant 0 : i32
    %lt3A_285 = arith.cmpi slt, %rem3A_281, %lt3A_284 : i32
    %lt3A_286 = arith.constant 0 : i32
    %lt3A_287 = arith.cmpi slt, %select_n3A_280, %lt3A_286 : i32
    %ne3A_288 = arith.xori %lt3A_285, %lt3A_287 : i1
    %and3A_289 = arith.andi %ne3A_288, %ne3A_283 : i1
    %add3A_290 = arith.addi %rem3A_281, %select_n3A_280 : i32
    %select_n3A_291 = arith.select %and3A_289, %add3A_290, %rem3A_281 : i32
    %mul3A_292 = arith.constant 16384 : i32
    %mul3A_293 = arith.muli %select_n3A_275, %mul3A_292 : i32
    %mul3A_294 = arith.constant 128 : i32
    %mul3A_295 = arith.muli %select_n3A_291, %mul3A_294 : i32
    %add3A_296 = arith.addi %mul3A_293, %mul3A_295 : i32
    "tpu.region"() ({
      %run_scoped3A = tpu.sem_alloc : memref<!tpu.dma_semaphore, #tpu.memory_space<semaphore_mem>>
      %dma_start3A_343 = tpu.memref_slice %arg3[%add3A_296] : memref<819200xi32, #tpu.memory_space<hbm>> -> memref<128xi32, #tpu.memory_space<hbm>>
      %dma_start3A_344 = tpu.memref_slice %arg3[%add3A_296] : memref<819200xi32, #tpu.memory_space<hbm>> -> memref<128xi32, #tpu.memory_space<hbm>>
      tpu.enqueue_dma source(%dma_start3A_344 : memref<128xi32, #tpu.memory_space<hbm>>) target(%arg5 : memref<128xi32, #tpu.memory_space<vmem>>) target_semaphore(%run_scoped3A : memref<!tpu.dma_semaphore, #tpu.memory_space<semaphore_mem>>)
      %dma_wait3A_345 = tpu.memref_slice %arg3[%add3A_296] : memref<819200xi32, #tpu.memory_space<hbm>> -> memref<128xi32, #tpu.memory_space<hbm>>
      %dma_wait3A_346 = tpu.memref_slice %arg3[%add3A_296] : memref<819200xi32, #tpu.memory_space<hbm>> -> memref<128xi32, #tpu.memory_space<hbm>>
      tpu.wait_dma2 semaphore(%run_scoped3A : memref<!tpu.dma_semaphore, #tpu.memory_space<semaphore_mem>>) src(%dma_wait3A_346 : memref<128xi32, #tpu.memory_space<hbm>>) dst(%arg5 : memref<128xi32, #tpu.memory_space<vmem>>)
      tpu.yield
    }) : () -> ()
    %dma_start3A = arith.constant 0 : i32
    %dma_start3A_297 = arith.constant 0 : i32
    %dma_start3A_298 = tpu.memref_slice %arg2[%dma_start3A, %dma_start3A_297] : memref<1000000x64xf32, #tpu.memory_space<hbm>> -> memref<1000000x64xf32, #tpu.memory_space<hbm>>
    tpu.enqueue_indirect_dma source(%dma_start3A_298 : memref<1000000x64xf32, #tpu.memory_space<hbm>>) target(%arg7 : memref<128x64xf32, #tpu.memory_space<vmem>>) offsets(%arg5 : memref<128xi32, #tpu.memory_space<vmem>>) semaphore(%arg11 : memref<!tpu.dma_semaphore, #tpu.memory_space<semaphore_mem>>)
    %scan3A = arith.constant 0 : i32
    %scan3A_299 = arith.constant 0 : i32
    %scan3A_300 = arith.constant 100 : i32
    %scan3A_301 = arith.addi %scan3A_299, %scan3A_300 : i32
    %scan3A_302 = arith.constant 1 : i32
    scf.for %scan3A_343 = %scan3A_299 to %scan3A_301 step %scan3A_302  : i32 {
      %mul3A_344 = arith.constant 2 : i32
      %mul3A_345 = arith.muli %mul3A_344, %scan3A_343 : i32
      %add3A_346 = arith.constant 0 : i32
      %add3A_347 = arith.addi %mul3A_345, %add3A_346 : i32
      %mul3A_348 = arith.constant 200 : i32
      %mul3A_349 = arith.muli %add3A, %mul3A_348 : i32
      %add3A_350 = arith.addi %mul3A_349, %add3A_347 : i32
      %add3A_351 = arith.constant 1 : i32
      %add3A_352 = arith.addi %add3A_347, %add3A_351 : i32
      %lt3A_353 = arith.constant 200 : i32
      %lt3A_354 = arith.cmpi slt, %add3A_352, %lt3A_353 : i32
      %convert_element_type3A = arith.extui %lt3A_354 : i1 to i32
      %cond3A = arith.constant 0 : i32
      %cond3A_355 = arith.cmpi ne, %convert_element_type3A, %cond3A : i32
      scf.if %cond3A_355 {
        %add3A_506 = arith.constant 1 : i32
        %add3A_507 = arith.addi %add3A_350, %add3A_506 : i32
        %jit3A_508 = arith.constant 128 : i32
        %div3A_509 = arith.divsi %add3A_507, %jit3A_508 : i32
        %sign3A_510 = arith.constant 0 : i32
        %sign3A_511 = arith.cmpi sgt, %add3A_507, %sign3A_510 : i32
        %sign3A_512 = arith.extui %sign3A_511 : i1 to i32
        %sign3A_513 = arith.constant 0 : i32
        %sign3A_514 = arith.cmpi slt, %add3A_507, %sign3A_513 : i32
        %sign3A_515 = arith.extui %sign3A_514 : i1 to i32
        %sign3A_516 = arith.subi %sign3A_512, %sign3A_515 : i32
        %sign3A_517 = arith.constant 0 : i32
        %sign3A_518 = arith.cmpi sgt, %jit3A_508, %sign3A_517 : i32
        %sign3A_519 = arith.extui %sign3A_518 : i1 to i32
        %sign3A_520 = arith.constant 0 : i32
        %sign3A_521 = arith.cmpi slt, %jit3A_508, %sign3A_520 : i32
        %sign3A_522 = arith.extui %sign3A_521 : i1 to i32
        %sign3A_523 = arith.subi %sign3A_519, %sign3A_522 : i32
        %ne3A_524 = arith.cmpi ne, %sign3A_516, %sign3A_523 : i32
        %rem3A_525 = arith.remsi %add3A_507, %jit3A_508 : i32
        %ne3A_526 = arith.constant 0 : i32
        %ne3A_527 = arith.cmpi ne, %rem3A_525, %ne3A_526 : i32
        %and3A_528 = arith.andi %ne3A_524, %ne3A_527 : i1
        %sub3A_529 = arith.constant 1 : i32
        %sub3A_530 = arith.subi %div3A_509, %sub3A_529 : i32
        %select_n3A_531 = arith.select %and3A_528, %sub3A_530, %div3A_509 : i32
        %jit3A_532 = arith.constant 128 : i32
        %eq3A_533 = arith.constant 0 : i32
        %eq3A_534 = arith.cmpi eq, %jit3A_532, %eq3A_533 : i32
        %jit3A_535 = arith.constant 1 : i32
        %select_n3A_536 = arith.select %eq3A_534, %jit3A_535, %jit3A_532 : i32
        %rem3A_537 = arith.remsi %add3A_507, %select_n3A_536 : i32
        %ne3A_538 = arith.constant 0 : i32
        %ne3A_539 = arith.cmpi ne, %rem3A_537, %ne3A_538 : i32
        %lt3A_540 = arith.constant 0 : i32
        %lt3A_541 = arith.cmpi slt, %rem3A_537, %lt3A_540 : i32
        %lt3A_542 = arith.constant 0 : i32
        %lt3A_543 = arith.cmpi slt, %select_n3A_536, %lt3A_542 : i32
        %ne3A_544 = arith.xori %lt3A_541, %lt3A_543 : i1
        %and3A_545 = arith.andi %ne3A_544, %ne3A_539 : i1
        %add3A_546 = arith.addi %rem3A_537, %select_n3A_536 : i32
        %select_n3A_547 = arith.select %and3A_545, %add3A_546, %rem3A_537 : i32
        %mul3A_548 = arith.constant 16384 : i32
        %mul3A_549 = arith.muli %select_n3A_531, %mul3A_548 : i32
        %mul3A_550 = arith.constant 128 : i32
        %mul3A_551 = arith.muli %select_n3A_547, %mul3A_550 : i32
        %add3A_552 = arith.addi %mul3A_549, %mul3A_551 : i32
        "tpu.region"() ({
          %run_scoped3A = tpu.sem_alloc : memref<!tpu.dma_semaphore, #tpu.memory_space<semaphore_mem>>
          %dma_start3A_556 = tpu.memref_slice %arg3[%add3A_552] : memref<819200xi32, #tpu.memory_space<hbm>> -> memref<128xi32, #tpu.memory_space<hbm>>
          %dma_start3A_557 = tpu.memref_slice %arg3[%add3A_552] : memref<819200xi32, #tpu.memory_space<hbm>> -> memref<128xi32, #tpu.memory_space<hbm>>
          tpu.enqueue_dma source(%dma_start3A_557 : memref<128xi32, #tpu.memory_space<hbm>>) target(%arg6 : memref<128xi32, #tpu.memory_space<vmem>>) target_semaphore(%run_scoped3A : memref<!tpu.dma_semaphore, #tpu.memory_space<semaphore_mem>>)
          %dma_wait3A_558 = tpu.memref_slice %arg3[%add3A_552] : memref<819200xi32, #tpu.memory_space<hbm>> -> memref<128xi32, #tpu.memory_space<hbm>>
          %dma_wait3A_559 = tpu.memref_slice %arg3[%add3A_552] : memref<819200xi32, #tpu.memory_space<hbm>> -> memref<128xi32, #tpu.memory_space<hbm>>
          tpu.wait_dma2 semaphore(%run_scoped3A : memref<!tpu.dma_semaphore, #tpu.memory_space<semaphore_mem>>) src(%dma_wait3A_559 : memref<128xi32, #tpu.memory_space<hbm>>) dst(%arg6 : memref<128xi32, #tpu.memory_space<vmem>>)
          tpu.yield
        }) : () -> ()
        %dma_start3A_553 = arith.constant 0 : i32
        %dma_start3A_554 = arith.constant 0 : i32
        %dma_start3A_555 = tpu.memref_slice %arg2[%dma_start3A_553, %dma_start3A_554] : memref<1000000x64xf32, #tpu.memory_space<hbm>> -> memref<1000000x64xf32, #tpu.memory_space<hbm>>
        tpu.enqueue_indirect_dma source(%dma_start3A_555 : memref<1000000x64xf32, #tpu.memory_space<hbm>>) target(%arg8 : memref<128x64xf32, #tpu.memory_space<vmem>>) offsets(%arg6 : memref<128xi32, #tpu.memory_space<vmem>>) semaphore(%arg12 : memref<!tpu.dma_semaphore, #tpu.memory_space<semaphore_mem>>)
      } else {
      }
      %dma_wait3A_356 = arith.constant 0 : i32
      %dma_wait3A_357 = arith.constant 0 : i32
      %dma_wait3A_358 = tpu.memref_slice %arg2[%dma_wait3A_356, %dma_wait3A_357] : memref<1000000x64xf32, #tpu.memory_space<hbm>> -> memref<1000000x64xf32, #tpu.memory_space<hbm>>
      tpu.wait_indirect_dma semaphore(%arg11 : memref<!tpu.dma_semaphore, #tpu.memory_space<semaphore_mem>>) src(%dma_wait3A_358 : memref<1000000x64xf32, #tpu.memory_space<hbm>>) dst(%arg7 : memref<128x64xf32, #tpu.memory_space<vmem>>)
      %ge3A = arith.constant 2 : i32
      %ge3A_359 = arith.cmpi sge, %add3A_347, %ge3A : i32
      %convert_element_type3A_360 = arith.extui %ge3A_359 : i1 to i32
      %cond3A_361 = arith.constant 0 : i32
      %cond3A_362 = arith.cmpi ne, %convert_element_type3A_360, %cond3A_361 : i32
      scf.if %cond3A_362 {
        %dma_wait3A_506 = arith.constant 0 : i32
        %dma_wait3A_507 = arith.constant 0 : i32
        %dma_wait3A_508 = arith.constant 0 : i32
        %dma_wait3A_509 = arith.constant 0 : i32
        %dma_wait3A_510 = arith.constant 0 : i32
        %dma_wait3A_511 = tpu.memref_slice %arg9[%dma_wait3A_508, %dma_wait3A_509, %dma_wait3A_510] : memref<8x8x129xf32, #tpu.memory_space<vmem>> -> memref<8x8x128xf32, #tpu.memory_space<vmem>>
        %dma_wait3A_512 = arith.constant 0 : i32
        %dma_wait3A_513 = arith.constant 0 : i32
        %dma_wait3A_514 = arith.constant 0 : i32
        %dma_wait3A_515 = tpu.memref_slice %arg4[%dma_wait3A_506, %dma_wait3A_512, %dma_wait3A_507, %dma_wait3A_513, %dma_wait3A_514] : memref<50x8x128x8x128xf32, #tpu.memory_space<hbm>> -> memref<1x8x1x8x128xf32, #tpu.memory_space<hbm>>
        %dma_wait3A_516 = tpu.memref_squeeze %dma_wait3A_515 : memref<1x8x1x8x128xf32, #tpu.memory_space<hbm>> -> memref<8x8x128xf32, #tpu.memory_space<hbm>>
        %dma_wait3A_517 = arith.constant 0 : i32
        %dma_wait3A_518 = arith.constant 0 : i32
        %dma_wait3A_519 = arith.constant 0 : i32
        %dma_wait3A_520 = tpu.memref_slice %arg4[%dma_wait3A_506, %dma_wait3A_517, %dma_wait3A_507, %dma_wait3A_518, %dma_wait3A_519] : memref<50x8x128x8x128xf32, #tpu.memory_space<hbm>> -> memref<1x8x1x8x128xf32, #tpu.memory_space<hbm>>
        %dma_wait3A_521 = tpu.memref_squeeze %dma_wait3A_520 : memref<1x8x1x8x128xf32, #tpu.memory_space<hbm>> -> memref<8x8x128xf32, #tpu.memory_space<hbm>>
        %dma_wait3A_522 = arith.constant 0 : i32
        %dma_wait3A_523 = arith.constant 0 : i32
        %dma_wait3A_524 = arith.constant 0 : i32
        %dma_wait3A_525 = tpu.memref_slice %arg9[%dma_wait3A_522, %dma_wait3A_523, %dma_wait3A_524] : memref<8x8x129xf32, #tpu.memory_space<vmem>> -> memref<8x8x128xf32, #tpu.memory_space<vmem>>
        tpu.wait_dma2 semaphore(%arg13 : memref<!tpu.dma_semaphore, #tpu.memory_space<semaphore_mem>>) src(%dma_wait3A_525 : memref<8x8x128xf32, #tpu.memory_space<vmem>>) dst(%dma_wait3A_521 : memref<8x8x128xf32, #tpu.memory_space<hbm>>)
      } else {
      }
      %parallel_loop3A = arith.constant 0 : i32
      %parallel_loop3A_363 = arith.constant 128 : i32
      %parallel_loop3A_364 = arith.constant 1 : i32
      scf.for %parallel_loop3A_506 = %parallel_loop3A to %parallel_loop3A_363 step %parallel_loop3A_364  : i32 {
        %parallel_loop3A_507 = vector.broadcast %parallel_loop3A_506 : i32 to vector<16xi32>
        %parallel_loop3A_508 = arith.index_cast %parallel_loop3A_506 : i32 to index
        %parallel_loop3A_509 = arith.constant 0 : index
        %parallel_loop3A_510 = tpu.vector_load %arg7[%parallel_loop3A_508, %parallel_loop3A_509] {strides = array<i32>} : memref<128x64xf32, #tpu.memory_space<vmem>>, vector<16xf32>,
        tpu.vector_store_idx %arg9[%select_n3A, %select_n3A_183, %parallel_loop3A_507], %parallel_loop3A_510 : memref<8x8x129xf32, #tpu.memory_space<vmem>>[vector<16xi32>, vector<16xi32>, vector<16xi32>], vector<16xf32>,
        %parallel_loop3A_511 = arith.index_cast %parallel_loop3A_506 : i32 to index
        %parallel_loop3A_512 = arith.constant 16 : index
        %parallel_loop3A_513 = tpu.vector_load %arg7[%parallel_loop3A_511, %parallel_loop3A_512] {strides = array<i32>} : memref<128x64xf32, #tpu.memory_space<vmem>>, vector<16xf32>,
        tpu.vector_store_idx %arg9[%select_n3A_101, %select_n3A_205, %parallel_loop3A_507], %parallel_loop3A_513 : memref<8x8x129xf32, #tpu.memory_space<vmem>>[vector<16xi32>, vector<16xi32>, vector<16xi32>], vector<16xf32>,
        %parallel_loop3A_514 = arith.index_cast %parallel_loop3A_506 : i32 to index
        %parallel_loop3A_515 = arith.constant 32 : index
        %parallel_loop3A_516 = tpu.vector_load %arg7[%parallel_loop3A_514, %parallel_loop3A_515] {strides = array<i32>} : memref<128x64xf32, #tpu.memory_space<vmem>>, vector<16xf32>,
        tpu.vector_store_idx %arg9[%select_n3A_132, %select_n3A_227, %parallel_loop3A_507], %parallel_loop3A_516 : memref<8x8x129xf32, #tpu.memory_space<vmem>>[vector<16xi32>, vector<16xi32>, vector<16xi32>], vector<16xf32>,
        %parallel_loop3A_517 = arith.index_cast %parallel_loop3A_506 : i32 to index
        %parallel_loop3A_518 = arith.constant 48 : index
        %parallel_loop3A_519 = tpu.vector_load %arg7[%parallel_loop3A_517, %parallel_loop3A_518] {strides = array<i32>} : memref<128x64xf32, #tpu.memory_space<vmem>>, vector<16xf32>,
        tpu.vector_store_idx %arg9[%select_n3A_163, %select_n3A_249, %parallel_loop3A_507], %parallel_loop3A_519 : memref<8x8x129xf32, #tpu.memory_space<vmem>>[vector<16xi32>, vector<16xi32>, vector<16xi32>], vector<16xf32>,
      } {sc.loop_unroll_factor = 4 : i64, sc.parallel_access}
      %jit3A_365 = arith.constant 128 : i32
      %div3A_366 = arith.divsi %add3A_350, %jit3A_365 : i32
      %sign3A_367 = arith.constant 0 : i32
      %sign3A_368 = arith.cmpi sgt, %add3A_350, %sign3A_367 : i32
      %sign3A_369 = arith.extui %sign3A_368 : i1 to i32
      %sign3A_370 = arith.constant 0 : i32
      %sign3A_371 = arith.cmpi slt, %add3A_350, %sign3A_370 : i32
      %sign3A_372 = arith.extui %sign3A_371 : i1 to i32
      %sign3A_373 = arith.subi %sign3A_369, %sign3A_372 : i32
      %sign3A_374 = arith.constant 0 : i32
      %sign3A_375 = arith.cmpi sgt, %jit3A_365, %sign3A_374 : i32
      %sign3A_376 = arith.extui %sign3A_375 : i1 to i32
      %sign3A_377 = arith.constant 0 : i32
      %sign3A_378 = arith.cmpi slt, %jit3A_365, %sign3A_377 : i32
      %sign3A_379 = arith.extui %sign3A_378 : i1 to i32
      %sign3A_380 = arith.subi %sign3A_376, %sign3A_379 : i32
      %ne3A_381 = arith.cmpi ne, %sign3A_373, %sign3A_380 : i32
      %rem3A_382 = arith.remsi %add3A_350, %jit3A_365 : i32
      %ne3A_383 = arith.constant 0 : i32
      %ne3A_384 = arith.cmpi ne, %rem3A_382, %ne3A_383 : i32
      %and3A_385 = arith.andi %ne3A_381, %ne3A_384 : i1
      %sub3A_386 = arith.constant 1 : i32
      %sub3A_387 = arith.subi %div3A_366, %sub3A_386 : i32
      %select_n3A_388 = arith.select %and3A_385, %sub3A_387, %div3A_366 : i32
      %jit3A_389 = arith.constant 128 : i32
      %eq3A_390 = arith.constant 0 : i32
      %eq3A_391 = arith.cmpi eq, %jit3A_389, %eq3A_390 : i32
      %jit3A_392 = arith.constant 1 : i32
      %select_n3A_393 = arith.select %eq3A_391, %jit3A_392, %jit3A_389 : i32
      %rem3A_394 = arith.remsi %add3A_350, %select_n3A_393 : i32
      %ne3A_395 = arith.constant 0 : i32
      %ne3A_396 = arith.cmpi ne, %rem3A_394, %ne3A_395 : i32
      %lt3A_397 = arith.constant 0 : i32
      %lt3A_398 = arith.cmpi slt, %rem3A_394, %lt3A_397 : i32
      %lt3A_399 = arith.constant 0 : i32
      %lt3A_400 = arith.cmpi slt, %select_n3A_393, %lt3A_399 : i32
      %ne3A_401 = arith.xori %lt3A_398, %lt3A_400 : i1
      %and3A_402 = arith.andi %ne3A_401, %ne3A_396 : i1
      %add3A_403 = arith.addi %rem3A_394, %select_n3A_393 : i32
      %select_n3A_404 = arith.select %and3A_402, %add3A_403, %rem3A_394 : i32
      %dma_start3A_405 = arith.constant 0 : i32
      %dma_start3A_406 = arith.constant 0 : i32
      %dma_start3A_407 = arith.constant 0 : i32
      %dma_start3A_408 = tpu.memref_slice %arg9[%dma_start3A_405, %dma_start3A_406, %dma_start3A_407] : memref<8x8x129xf32, #tpu.memory_space<vmem>> -> memref<8x8x128xf32, #tpu.memory_space<vmem>>
      %dma_start3A_409 = arith.constant 0 : i32
      %dma_start3A_410 = arith.constant 0 : i32
      %dma_start3A_411 = arith.constant 0 : i32
      %dma_start3A_412 = tpu.memref_slice %arg4[%select_n3A_388, %dma_start3A_409, %select_n3A_404, %dma_start3A_410, %dma_start3A_411] : memref<50x8x128x8x128xf32, #tpu.memory_space<hbm>> -> memref<1x8x1x8x128xf32, #tpu.memory_space<hbm>>
      %dma_start3A_413 = tpu.memref_squeeze %dma_start3A_412 : memref<1x8x1x8x128xf32, #tpu.memory_space<hbm>> -> memref<8x8x128xf32, #tpu.memory_space<hbm>>
      %dma_start3A_414 = arith.constant 0 : i32
      %dma_start3A_415 = arith.constant 0 : i32
      %dma_start3A_416 = arith.constant 0 : i32
      %dma_start3A_417 = tpu.memref_slice %arg4[%select_n3A_388, %dma_start3A_414, %select_n3A_404, %dma_start3A_415, %dma_start3A_416] : memref<50x8x128x8x128xf32, #tpu.memory_space<hbm>> -> memref<1x8x1x8x128xf32, #tpu.memory_space<hbm>>
      %dma_start3A_418 = tpu.memref_squeeze %dma_start3A_417 : memref<1x8x1x8x128xf32, #tpu.memory_space<hbm>> -> memref<8x8x128xf32, #tpu.memory_space<hbm>>
      %dma_start3A_419 = arith.constant 0 : i32
      %dma_start3A_420 = arith.constant 0 : i32
      %dma_start3A_421 = arith.constant 0 : i32
      %dma_start3A_422 = tpu.memref_slice %arg9[%dma_start3A_419, %dma_start3A_420, %dma_start3A_421] : memref<8x8x129xf32, #tpu.memory_space<vmem>> -> memref<8x8x128xf32, #tpu.memory_space<vmem>>
      tpu.enqueue_dma source(%dma_start3A_422 : memref<8x8x128xf32, #tpu.memory_space<vmem>>) target(%dma_start3A_418 : memref<8x8x128xf32, #tpu.memory_space<hbm>>) target_semaphore(%arg13 : memref<!tpu.dma_semaphore, #tpu.memory_space<semaphore_mem>>)
      %mul3A_423 = arith.constant 2 : i32
      %mul3A_424 = arith.muli %mul3A_423, %scan3A_343 : i32
      %add3A_425 = arith.constant 1 : i32
      %add3A_426 = arith.addi %mul3A_424, %add3A_425 : i32
      %mul3A_427 = arith.constant 200 : i32
      %mul3A_428 = arith.muli %add3A, %mul3A_427 : i32
      %add3A_429 = arith.addi %mul3A_428, %add3A_426 : i32
      %add3A_430 = arith.constant 1 : i32
      %add3A_431 = arith.addi %add3A_426, %add3A_430 : i32
      %lt3A_432 = arith.constant 200 : i32
      %lt3A_433 = arith.cmpi slt, %add3A_431, %lt3A_432 : i32
      %convert_element_type3A_434 = arith.extui %lt3A_433 : i1 to i32
      %cond3A_435 = arith.constant 0 : i32
      %cond3A_436 = arith.cmpi ne, %convert_element_type3A_434, %cond3A_435 : i32
      scf.if %cond3A_436 {
        %add3A_506 = arith.constant 1 : i32
        %add3A_507 = arith.addi %add3A_429, %add3A_506 : i32
        %jit3A_508 = arith.constant 128 : i32
        %div3A_509 = arith.divsi %add3A_507, %jit3A_508 : i32
        %sign3A_510 = arith.constant 0 : i32
        %sign3A_511 = arith.cmpi sgt, %add3A_507, %sign3A_510 : i32
        %sign3A_512 = arith.extui %sign3A_511 : i1 to i32
        %sign3A_513 = arith.constant 0 : i32
        %sign3A_514 = arith.cmpi slt, %add3A_507, %sign3A_513 : i32
        %sign3A_515 = arith.extui %sign3A_514 : i1 to i32
        %sign3A_516 = arith.subi %sign3A_512, %sign3A_515 : i32
        %sign3A_517 = arith.constant 0 : i32
        %sign3A_518 = arith.cmpi sgt, %jit3A_508, %sign3A_517 : i32
        %sign3A_519 = arith.extui %sign3A_518 : i1 to i32
        %sign3A_520 = arith.constant 0 : i32
        %sign3A_521 = arith.cmpi slt, %jit3A_508, %sign3A_520 : i32
        %sign3A_522 = arith.extui %sign3A_521 : i1 to i32
        %sign3A_523 = arith.subi %sign3A_519, %sign3A_522 : i32
        %ne3A_524 = arith.cmpi ne, %sign3A_516, %sign3A_523 : i32
        %rem3A_525 = arith.remsi %add3A_507, %jit3A_508 : i32
        %ne3A_526 = arith.constant 0 : i32
        %ne3A_527 = arith.cmpi ne, %rem3A_525, %ne3A_526 : i32
        %and3A_528 = arith.andi %ne3A_524, %ne3A_527 : i1
        %sub3A_529 = arith.constant 1 : i32
        %sub3A_530 = arith.subi %div3A_509, %sub3A_529 : i32
        %select_n3A_531 = arith.select %and3A_528, %sub3A_530, %div3A_509 : i32
        %jit3A_532 = arith.constant 128 : i32
        %eq3A_533 = arith.constant 0 : i32
        %eq3A_534 = arith.cmpi eq, %jit3A_532, %eq3A_533 : i32
        %jit3A_535 = arith.constant 1 : i32
        %select_n3A_536 = arith.select %eq3A_534, %jit3A_535, %jit3A_532 : i32
        %rem3A_537 = arith.remsi %add3A_507, %select_n3A_536 : i32
        %ne3A_538 = arith.constant 0 : i32
        %ne3A_539 = arith.cmpi ne, %rem3A_537, %ne3A_538 : i32
        %lt3A_540 = arith.constant 0 : i32
        %lt3A_541 = arith.cmpi slt, %rem3A_537, %lt3A_540 : i32
        %lt3A_542 = arith.constant 0 : i32
        %lt3A_543 = arith.cmpi slt, %select_n3A_536, %lt3A_542 : i32
        %ne3A_544 = arith.xori %lt3A_541, %lt3A_543 : i1
        %and3A_545 = arith.andi %ne3A_544, %ne3A_539 : i1
        %add3A_546 = arith.addi %rem3A_537, %select_n3A_536 : i32
        %select_n3A_547 = arith.select %and3A_545, %add3A_546, %rem3A_537 : i32
        %mul3A_548 = arith.constant 16384 : i32
        %mul3A_549 = arith.muli %select_n3A_531, %mul3A_548 : i32
        %mul3A_550 = arith.constant 128 : i32
        %mul3A_551 = arith.muli %select_n3A_547, %mul3A_550 : i32
        %add3A_552 = arith.addi %mul3A_549, %mul3A_551 : i32
        "tpu.region"() ({
          %run_scoped3A = tpu.sem_alloc : memref<!tpu.dma_semaphore, #tpu.memory_space<semaphore_mem>>
          %dma_start3A_556 = tpu.memref_slice %arg3[%add3A_552] : memref<819200xi32, #tpu.memory_space<hbm>> -> memref<128xi32, #tpu.memory_space<hbm>>
          %dma_start3A_557 = tpu.memref_slice %arg3[%add3A_552] : memref<819200xi32, #tpu.memory_space<hbm>> -> memref<128xi32, #tpu.memory_space<hbm>>
          tpu.enqueue_dma source(%dma_start3A_557 : memref<128xi32, #tpu.memory_space<hbm>>) target(%arg5 : memref<128xi32, #tpu.memory_space<vmem>>) target_semaphore(%run_scoped3A : memref<!tpu.dma_semaphore, #tpu.memory_space<semaphore_mem>>)
          %dma_wait3A_558 = tpu.memref_slice %arg3[%add3A_552] : memref<819200xi32, #tpu.memory_space<hbm>> -> memref<128xi32, #tpu.memory_space<hbm>>
          %dma_wait3A_559 = tpu.memref_slice %arg3[%add3A_552] : memref<819200xi32, #tpu.memory_space<hbm>> -> memref<128xi32, #tpu.memory_space<hbm>>
          tpu.wait_dma2 semaphore(%run_scoped3A : memref<!tpu.dma_semaphore, #tpu.memory_space<semaphore_mem>>) src(%dma_wait3A_559 : memref<128xi32, #tpu.memory_space<hbm>>) dst(%arg5 : memref<128xi32, #tpu.memory_space<vmem>>)
          tpu.yield
        }) : () -> ()
        %dma_start3A_553 = arith.constant 0 : i32
        %dma_start3A_554 = arith.constant 0 : i32
        %dma_start3A_555 = tpu.memref_slice %arg2[%dma_start3A_553, %dma_start3A_554] : memref<1000000x64xf32, #tpu.memory_space<hbm>> -> memref<1000000x64xf32, #tpu.memory_space<hbm>>
        tpu.enqueue_indirect_dma source(%dma_start3A_555 : memref<1000000x64xf32, #tpu.memory_space<hbm>>) target(%arg7 : memref<128x64xf32, #tpu.memory_space<vmem>>) offsets(%arg5 : memref<128xi32, #tpu.memory_space<vmem>>) semaphore(%arg11 : memref<!tpu.dma_semaphore, #tpu.memory_space<semaphore_mem>>)
      } else {
      }
      %dma_wait3A_437 = arith.constant 0 : i32
      %dma_wait3A_438 = arith.constant 0 : i32
      %dma_wait3A_439 = tpu.memref_slice %arg2[%dma_wait3A_437, %dma_wait3A_438] : memref<1000000x64xf32, #tpu.memory_space<hbm>> -> memref<1000000x64xf32, #tpu.memory_space<hbm>>
      tpu.wait_indirect_dma semaphore(%arg12 : memref<!tpu.dma_semaphore, #tpu.memory_space<semaphore_mem>>) src(%dma_wait3A_439 : memref<1000000x64xf32, #tpu.memory_space<hbm>>) dst(%arg8 : memref<128x64xf32, #tpu.memory_space<vmem>>)
      %ge3A_440 = arith.constant 2 : i32
      %ge3A_441 = arith.cmpi sge, %add3A_426, %ge3A_440 : i32
      %convert_element_type3A_442 = arith.extui %ge3A_441 : i1 to i32
      %cond3A_443 = arith.constant 0 : i32
      %cond3A_444 = arith.cmpi ne, %convert_element_type3A_442, %cond3A_443 : i32
      scf.if %cond3A_444 {
        %dma_wait3A_506 = arith.constant 0 : i32
        %dma_wait3A_507 = arith.constant 0 : i32
        %dma_wait3A_508 = arith.constant 0 : i32
        %dma_wait3A_509 = arith.constant 0 : i32
        %dma_wait3A_510 = arith.constant 0 : i32
        %dma_wait3A_511 = tpu.memref_slice %arg10[%dma_wait3A_508, %dma_wait3A_509, %dma_wait3A_510] : memref<8x8x129xf32, #tpu.memory_space<vmem>> -> memref<8x8x128xf32, #tpu.memory_space<vmem>>
        %dma_wait3A_512 = arith.constant 0 : i32
        %dma_wait3A_513 = arith.constant 0 : i32
        %dma_wait3A_514 = arith.constant 0 : i32
        %dma_wait3A_515 = tpu.memref_slice %arg4[%dma_wait3A_506, %dma_wait3A_512, %dma_wait3A_507, %dma_wait3A_513, %dma_wait3A_514] : memref<50x8x128x8x128xf32, #tpu.memory_space<hbm>> -> memref<1x8x1x8x128xf32, #tpu.memory_space<hbm>>
        %dma_wait3A_516 = tpu.memref_squeeze %dma_wait3A_515 : memref<1x8x1x8x128xf32, #tpu.memory_space<hbm>> -> memref<8x8x128xf32, #tpu.memory_space<hbm>>
        %dma_wait3A_517 = arith.constant 0 : i32
        %dma_wait3A_518 = arith.constant 0 : i32
        %dma_wait3A_519 = arith.constant 0 : i32
        %dma_wait3A_520 = tpu.memref_slice %arg4[%dma_wait3A_506, %dma_wait3A_517, %dma_wait3A_507, %dma_wait3A_518, %dma_wait3A_519] : memref<50x8x128x8x128xf32, #tpu.memory_space<hbm>> -> memref<1x8x1x8x128xf32, #tpu.memory_space<hbm>>
        %dma_wait3A_521 = tpu.memref_squeeze %dma_wait3A_520 : memref<1x8x1x8x128xf32, #tpu.memory_space<hbm>> -> memref<8x8x128xf32, #tpu.memory_space<hbm>>
        %dma_wait3A_522 = arith.constant 0 : i32
        %dma_wait3A_523 = arith.constant 0 : i32
        %dma_wait3A_524 = arith.constant 0 : i32
        %dma_wait3A_525 = tpu.memref_slice %arg10[%dma_wait3A_522, %dma_wait3A_523, %dma_wait3A_524] : memref<8x8x129xf32, #tpu.memory_space<vmem>> -> memref<8x8x128xf32, #tpu.memory_space<vmem>>
        tpu.wait_dma2 semaphore(%arg14 : memref<!tpu.dma_semaphore, #tpu.memory_space<semaphore_mem>>) src(%dma_wait3A_525 : memref<8x8x128xf32, #tpu.memory_space<vmem>>) dst(%dma_wait3A_521 : memref<8x8x128xf32, #tpu.memory_space<hbm>>)
      } else {
      }
      %parallel_loop3A_445 = arith.constant 0 : i32
      %parallel_loop3A_446 = arith.constant 128 : i32
      %parallel_loop3A_447 = arith.constant 1 : i32
      scf.for %parallel_loop3A_506 = %parallel_loop3A_445 to %parallel_loop3A_446 step %parallel_loop3A_447  : i32 {
        %parallel_loop3A_507 = vector.broadcast %parallel_loop3A_506 : i32 to vector<16xi32>
        %parallel_loop3A_508 = arith.index_cast %parallel_loop3A_506 : i32 to index
        %parallel_loop3A_509 = arith.constant 0 : index
        %parallel_loop3A_510 = tpu.vector_load %arg8[%parallel_loop3A_508, %parallel_loop3A_509] {strides = array<i32>} : memref<128x64xf32, #tpu.memory_space<vmem>>, vector<16xf32>,
        tpu.vector_store_idx %arg10[%select_n3A, %select_n3A_183, %parallel_loop3A_507], %parallel_loop3A_510 : memref<8x8x129xf32, #tpu.memory_space<vmem>>[vector<16xi32>, vector<16xi32>, vector<16xi32>], vector<16xf32>,
        %parallel_loop3A_511 = arith.index_cast %parallel_loop3A_506 : i32 to index
        %parallel_loop3A_512 = arith.constant 16 : index
        %parallel_loop3A_513 = tpu.vector_load %arg8[%parallel_loop3A_511, %parallel_loop3A_512] {strides = array<i32>} : memref<128x64xf32, #tpu.memory_space<vmem>>, vector<16xf32>,
        tpu.vector_store_idx %arg10[%select_n3A_101, %select_n3A_205, %parallel_loop3A_507], %parallel_loop3A_513 : memref<8x8x129xf32, #tpu.memory_space<vmem>>[vector<16xi32>, vector<16xi32>, vector<16xi32>], vector<16xf32>,
        %parallel_loop3A_514 = arith.index_cast %parallel_loop3A_506 : i32 to index
        %parallel_loop3A_515 = arith.constant 32 : index
        %parallel_loop3A_516 = tpu.vector_load %arg8[%parallel_loop3A_514, %parallel_loop3A_515] {strides = array<i32>} : memref<128x64xf32, #tpu.memory_space<vmem>>, vector<16xf32>,
        tpu.vector_store_idx %arg10[%select_n3A_132, %select_n3A_227, %parallel_loop3A_507], %parallel_loop3A_516 : memref<8x8x129xf32, #tpu.memory_space<vmem>>[vector<16xi32>, vector<16xi32>, vector<16xi32>], vector<16xf32>,
        %parallel_loop3A_517 = arith.index_cast %parallel_loop3A_506 : i32 to index
        %parallel_loop3A_518 = arith.constant 48 : index
        %parallel_loop3A_519 = tpu.vector_load %arg8[%parallel_loop3A_517, %parallel_loop3A_518] {strides = array<i32>} : memref<128x64xf32, #tpu.memory_space<vmem>>, vector<16xf32>,
        tpu.vector_store_idx %arg10[%select_n3A_163, %select_n3A_249, %parallel_loop3A_507], %parallel_loop3A_519 : memref<8x8x129xf32, #tpu.memory_space<vmem>>[vector<16xi32>, vector<16xi32>, vector<16xi32>], vector<16xf32>,
      } {sc.loop_unroll_factor = 4 : i64, sc.parallel_access}
      %jit3A_448 = arith.constant 128 : i32
      %div3A_449 = arith.divsi %add3A_429, %jit3A_448 : i32
      %sign3A_450 = arith.constant 0 : i32
      %sign3A_451 = arith.cmpi sgt, %add3A_429, %sign3A_450 : i32
      %sign3A_452 = arith.extui %sign3A_451 : i1 to i32
      %sign3A_453 = arith.constant 0 : i32
      %sign3A_454 = arith.cmpi slt, %add3A_429, %sign3A_453 : i32
      %sign3A_455 = arith.extui %sign3A_454 : i1 to i32
      %sign3A_456 = arith.subi %sign3A_452, %sign3A_455 : i32
      %sign3A_457 = arith.constant 0 : i32
      %sign3A_458 = arith.cmpi sgt, %jit3A_448, %sign3A_457 : i32
      %sign3A_459 = arith.extui %sign3A_458 : i1 to i32
      %sign3A_460 = arith.constant 0 : i32
      %sign3A_461 = arith.cmpi slt, %jit3A_448, %sign3A_460 : i32
      %sign3A_462 = arith.extui %sign3A_461 : i1 to i32
      %sign3A_463 = arith.subi %sign3A_459, %sign3A_462 : i32
      %ne3A_464 = arith.cmpi ne, %sign3A_456, %sign3A_463 : i32
      %rem3A_465 = arith.remsi %add3A_429, %jit3A_448 : i32
      %ne3A_466 = arith.constant 0 : i32
      %ne3A_467 = arith.cmpi ne, %rem3A_465, %ne3A_466 : i32
      %and3A_468 = arith.andi %ne3A_464, %ne3A_467 : i1
      %sub3A_469 = arith.constant 1 : i32
      %sub3A_470 = arith.subi %div3A_449, %sub3A_469 : i32
      %select_n3A_471 = arith.select %and3A_468, %sub3A_470, %div3A_449 : i32
      %jit3A_472 = arith.constant 128 : i32
      %eq3A_473 = arith.constant 0 : i32
      %eq3A_474 = arith.cmpi eq, %jit3A_472, %eq3A_473 : i32
      %jit3A_475 = arith.constant 1 : i32
      %select_n3A_476 = arith.select %eq3A_474, %jit3A_475, %jit3A_472 : i32
      %rem3A_477 = arith.remsi %add3A_429, %select_n3A_476 : i32
      %ne3A_478 = arith.constant 0 : i32
      %ne3A_479 = arith.cmpi ne, %rem3A_477, %ne3A_478 : i32
      %lt3A_480 = arith.constant 0 : i32
      %lt3A_481 = arith.cmpi slt, %rem3A_477, %lt3A_480 : i32
      %lt3A_482 = arith.constant 0 : i32
      %lt3A_483 = arith.cmpi slt, %select_n3A_476, %lt3A_482 : i32
      %ne3A_484 = arith.xori %lt3A_481, %lt3A_483 : i1
      %and3A_485 = arith.andi %ne3A_484, %ne3A_479 : i1
      %add3A_486 = arith.addi %rem3A_477, %select_n3A_476 : i32
      %select_n3A_487 = arith.select %and3A_485, %add3A_486, %rem3A_477 : i32
      %dma_start3A_488 = arith.constant 0 : i32
      %dma_start3A_489 = arith.constant 0 : i32
      %dma_start3A_490 = arith.constant 0 : i32
      %dma_start3A_491 = tpu.memref_slice %arg10[%dma_start3A_488, %dma_start3A_489, %dma_start3A_490] : memref<8x8x129xf32, #tpu.memory_space<vmem>> -> memref<8x8x128xf32, #tpu.memory_space<vmem>>
      %dma_start3A_492 = arith.constant 0 : i32
      %dma_start3A_493 = arith.constant 0 : i32
      %dma_start3A_494 = arith.constant 0 : i32
      %dma_start3A_495 = tpu.memref_slice %arg4[%select_n3A_471, %dma_start3A_492, %select_n3A_487, %dma_start3A_493, %dma_start3A_494] : memref<50x8x128x8x128xf32, #tpu.memory_space<hbm>> -> memref<1x8x1x8x128xf32, #tpu.memory_space<hbm>>
      %dma_start3A_496 = tpu.memref_squeeze %dma_start3A_495 : memref<1x8x1x8x128xf32, #tpu.memory_space<hbm>> -> memref<8x8x128xf32, #tpu.memory_space<hbm>>
      %dma_start3A_497 = arith.constant 0 : i32
      %dma_start3A_498 = arith.constant 0 : i32
      %dma_start3A_499 = arith.constant 0 : i32
      %dma_start3A_500 = tpu.memref_slice %arg4[%select_n3A_471, %dma_start3A_497, %select_n3A_487, %dma_start3A_498, %dma_start3A_499] : memref<50x8x128x8x128xf32, #tpu.memory_space<hbm>> -> memref<1x8x1x8x128xf32, #tpu.memory_space<hbm>>
      %dma_start3A_501 = tpu.memref_squeeze %dma_start3A_500 : memref<1x8x1x8x128xf32, #tpu.memory_space<hbm>> -> memref<8x8x128xf32, #tpu.memory_space<hbm>>
      %dma_start3A_502 = arith.constant 0 : i32
      %dma_start3A_503 = arith.constant 0 : i32
      %dma_start3A_504 = arith.constant 0 : i32
      %dma_start3A_505 = tpu.memref_slice %arg10[%dma_start3A_502, %dma_start3A_503, %dma_start3A_504] : memref<8x8x129xf32, #tpu.memory_space<vmem>> -> memref<8x8x128xf32, #tpu.memory_space<vmem>>
      tpu.enqueue_dma source(%dma_start3A_505 : memref<8x8x128xf32, #tpu.memory_space<vmem>>) target(%dma_start3A_501 : memref<8x8x128xf32, #tpu.memory_space<hbm>>) target_semaphore(%arg14 : memref<!tpu.dma_semaphore, #tpu.memory_space<semaphore_mem>>)
    }
    %scan3A_303 = arith.constant 100 : i32
    %dma_wait3A = arith.constant 0 : i32
    %dma_wait3A_304 = arith.constant 0 : i32
    %dma_wait3A_305 = arith.constant 0 : i32
    %dma_wait3A_306 = arith.constant 0 : i32
    %dma_wait3A_307 = arith.constant 0 : i32
    %dma_wait3A_308 = tpu.memref_slice %arg9[%dma_wait3A_305, %dma_wait3A_306, %dma_wait3A_307] : memref<8x8x129xf32, #tpu.memory_space<vmem>> -> memref<8x8x128xf32, #tpu.memory_space<vmem>>
    %dma_wait3A_309 = arith.constant 0 : i32
    %dma_wait3A_310 = arith.constant 0 : i32
    %dma_wait3A_311 = arith.constant 0 : i32
    %dma_wait3A_312 = tpu.memref_slice %arg4[%dma_wait3A, %dma_wait3A_309, %dma_wait3A_304, %dma_wait3A_310, %dma_wait3A_311] : memref<50x8x128x8x128xf32, #tpu.memory_space<hbm>> -> memref<1x8x1x8x128xf32, #tpu.memory_space<hbm>>
    %dma_wait3A_313 = tpu.memref_squeeze %dma_wait3A_312 : memref<1x8x1x8x128xf32, #tpu.memory_space<hbm>> -> memref<8x8x128xf32, #tpu.memory_space<hbm>>
    %dma_wait3A_314 = arith.constant 0 : i32
    %dma_wait3A_315 = arith.constant 0 : i32
    %dma_wait3A_316 = arith.constant 0 : i32
    %dma_wait3A_317 = tpu.memref_slice %arg4[%dma_wait3A, %dma_wait3A_314, %dma_wait3A_304, %dma_wait3A_315, %dma_wait3A_316] : memref<50x8x128x8x128xf32, #tpu.memory_space<hbm>> -> memref<1x8x1x8x128xf32, #tpu.memory_space<hbm>>
    %dma_wait3A_318 = tpu.memref_squeeze %dma_wait3A_317 : memref<1x8x1x8x128xf32, #tpu.memory_space<hbm>> -> memref<8x8x128xf32, #tpu.memory_space<hbm>>
    %dma_wait3A_319 = arith.constant 0 : i32
    %dma_wait3A_320 = arith.constant 0 : i32
    %dma_wait3A_321 = arith.constant 0 : i32
    %dma_wait3A_322 = tpu.memref_slice %arg9[%dma_wait3A_319, %dma_wait3A_320, %dma_wait3A_321] : memref<8x8x129xf32, #tpu.memory_space<vmem>> -> memref<8x8x128xf32, #tpu.memory_space<vmem>>
    tpu.wait_dma2 semaphore(%arg13 : memref<!tpu.dma_semaphore, #tpu.memory_space<semaphore_mem>>) src(%dma_wait3A_322 : memref<8x8x128xf32, #tpu.memory_space<vmem>>) dst(%dma_wait3A_318 : memref<8x8x128xf32, #tpu.memory_space<hbm>>)
    %dma_wait3A_323 = arith.constant 0 : i32
    %dma_wait3A_324 = arith.constant 0 : i32
    %dma_wait3A_325 = arith.constant 0 : i32
    %dma_wait3A_326 = arith.constant 0 : i32
    %dma_wait3A_327 = arith.constant 0 : i32
    %dma_wait3A_328 = tpu.memref_slice %arg10[%dma_wait3A_325, %dma_wait3A_326, %dma_wait3A_327] : memref<8x8x129xf32, #tpu.memory_space<vmem>> -> memref<8x8x128xf32, #tpu.memory_space<vmem>>
    %dma_wait3A_329 = arith.constant 0 : i32
    %dma_wait3A_330 = arith.constant 0 : i32
    %dma_wait3A_331 = arith.constant 0 : i32
    %dma_wait3A_332 = tpu.memref_slice %arg4[%dma_wait3A_323, %dma_wait3A_329, %dma_wait3A_324, %dma_wait3A_330, %dma_wait3A_331] : memref<50x8x128x8x128xf32, #tpu.memory_space<hbm>> -> memref<1x8x1x8x128xf32, #tpu.memory_space<hbm>>
    %dma_wait3A_333 = tpu.memref_squeeze %dma_wait3A_332 : memref<1x8x1x8x128xf32, #tpu.memory_space<hbm>> -> memref<8x8x128xf32, #tpu.memory_space<hbm>>
    %dma_wait3A_334 = arith.constant 0 : i32
    %dma_wait3A_335 = arith.constant 0 : i32
    %dma_wait3A_336 = arith.constant 0 : i32
    %dma_wait3A_337 = tpu.memref_slice %arg4[%dma_wait3A_323, %dma_wait3A_334, %dma_wait3A_324, %dma_wait3A_335, %dma_wait3A_336] : memref<50x8x128x8x128xf32, #tpu.memory_space<hbm>> -> memref<1x8x1x8x128xf32, #tpu.memory_space<hbm>>
    %dma_wait3A_338 = tpu.memref_squeeze %dma_wait3A_337 : memref<1x8x1x8x128xf32, #tpu.memory_space<hbm>> -> memref<8x8x128xf32, #tpu.memory_space<hbm>>
    %dma_wait3A_339 = arith.constant 0 : i32
    %dma_wait3A_340 = arith.constant 0 : i32
    %dma_wait3A_341 = arith.constant 0 : i32
    %dma_wait3A_342 = tpu.memref_slice %arg10[%dma_wait3A_339, %dma_wait3A_340, %dma_wait3A_341] : memref<8x8x129xf32, #tpu.memory_space<vmem>> -> memref<8x8x128xf32, #tpu.memory_space<vmem>>
    tpu.wait_dma2 semaphore(%arg14 : memref<!tpu.dma_semaphore, #tpu.memory_space<semaphore_mem>>) src(%dma_wait3A_342 : memref<8x8x128xf32, #tpu.memory_space<vmem>>) dst(%dma_wait3A_338 : memref<8x8x128xf32, #tpu.memory_space<hbm>>)
    return
  }
}

</mosaic_0001>

<sc_bundles>
// kernel: kernel.3.cloned.1.call-start
scs
__scs_entry_jumppad:
0x0: {  	(pc) =	sbr.rel $0x88, $3  }
0x1: {  	(tag) =	ssettag $0x0;
	lr =	simm.s32 $0x1  }
0x2: {  	[smem:$0x3F9F] =	sst lr;
	_ =	strace $0xD0000000  }
0x3: {  	_ = 	snop  }
0x4: {  	_ = 	snop  }
0x5: {  	_ = 	snop  }
0x6: {  	_ = 	snop  }
0x7: {  	_ = 	snop  }
__scs_overlays_trampoline_lowered:
0x8: {  	[smem:$0x3FAE] =	sst s0  }
0x9: {  	[smem:$0x3FAF] =	sst s1  }
0xa: {  	[smem:$0x3FB0] =	sst s2  }
0xb: {  	[smem:$0x3FB1] =	sst s3  }
0xc: {  	[smem:$0x3FB2] =	sst s4  }
0xd: {  	[smem:$0x3FB3] =	sst s5  }
0xe: {  	[smem:$0x3FB4] =	sst s6  }
0xf: {  	[smem:$0x3FB5] =	sst s7  }
0x10: {  	[smem:$0x3FB6] =	sst s8  }
0x11: {  	[smem:$0x3FB7] =	sst s9;
	s0 =	simm.s32 @!p0 $0x0  }
0x12: {  	s1 =	sld [smem:$0x3F9D];
	s0 =	simm.s32 @p0 $0x1  }
0x13: {  	[smem:$0x3FB8] =	sst s0;
	s0 =	simm.s32 @!p1 $0x0  }
0x14: {  	s2 =	sld [smem:$0x3F9C];
	s0 =	simm.s32 @p1 $0x1  }
0x15: {  	[smem:$0x3FB9] =	sst s0;
	s0 =	simm.s32 @!p2 $0x0  }
0x16: {  	s3 =	sld [smem:$0x3FDB];
	s0 =	simm.s32 @p2 $0x1  }
0x17: {  	s4 =	simm.s32 $0x1BF5;
	[smem:$0x3FBB] =	sst s0  }
0x18: {  	s0 =	sld [smem:$0x3F9E];
	_ =	swait.ge [sflag:s4], $0x0  }
0x19: {  	s7 =	sld [smem:$0x3F9F]  }
0x1a: {  	s8 =	sadd.s32 $0xFFFFE003, lr  }
0x1b: {  	s9 =	sadd.s32 $0xFFFFFEF7, lr;
	s5 =	simm.s32 $0xFFFFFFFF;
	p2 =	slt.u32 s8, $0xFFFFF086  }
0x1c: {  	p1 =	slt.u32 s9, $0xF7A;
	s5 =	simm.s32 @!p2 $0x0  }
0x1d: {  	s5 =	simm.s32 @p1 $0x1;
	p0 =	seq.s32 s7, s2  }
0x1e: {  	s7 =	smul.u32 @!p0 $0xF7A, s2;
	p2 =	seq.s32 @!p0 s5, $0x0  }
0x1f: {  	s9 =	smul.u32 $0xF7A, s1;
	s8 =	simm.s32 @!p0 $0x1BF5;
	p2 =	por !p2, p0  }
0x20: {  	[sflag:s8] =	ssyncset.s32 @!p0 $0xFFFFF086;
	s6 =	sadd.s32 @!p0 s3, s7;
	s7 =	simm.s32 @!p0 $0x108  }
0x21: {  	s3 =	sadd.s32 s3, s9;
	s6 =	sadd.s32 @!p0 $0x88, s6;
	s7 =	simm.s32 @p2 $0x1082  }
0x22: {  	[simem:s7], [sflag:s8] =	dma.local @!p0 [hbm:s6], $0xF7A  }
0x23: {  	s9 =	sor.u32 $0xD0000000, s2;
	s6 =	simm.s32 $0x108;
	_ =	swait.ge @!p0 [sflag:s8], $0x0  }
0x24: {  	s3 =	sadd.s32 $0x88, s3;
	s6 =	simm.s32 @!p1 $0x1082;
	[sflag:s4] =	ssyncset.s32 $0xFFFFF086  }
0x25: {  	[simem:s6], [sflag:s4] =	dma.local [hbm:s3], $0xF7A  }
0x26: {  	[smem:$0x3F9F] =	sst s1;
	(tag) =	ssettag s2;
	_ =	strace s9  }
0x27: {  	s1 =	sld [smem:$0x3FAF]  }
0x28: {  	s2 =	sld [smem:$0x3FB0]  }
0x29: {  	s4 =	sld [smem:$0x3FB2]  }
0x2a: {  	p0 =	seq.s32 s5, $0x0;
	s5 =	sld [smem:$0x3FB3]  }
0x2b: {  	s6 =	sld [smem:$0x3FB4]  }
0x2c: {  	s7 =	sld [smem:$0x3FB5]  }
0x2d: {  	s3 =	simm.s32 $0x108;
	s8 =	sld [smem:$0x3FB6]  }
0x2e: {  	s3 =	simm.s32 @!p0 $0x1082;
	s9 =	sld [smem:$0x3FB7]  }
0x2f: {  	lr =	sadd.s32 s0, s3;
	s0 =	sld [smem:$0x3FAE]  }
0x30: {  	s3 =	sld [smem:$0x3FB1]  }
0x31: {  	[smem:$0x3FBA] =	sst s10  }
0x32: {  	s10 =	sld [smem:$0x3FB8];
	_ =	sdelay $0x3  }
0x33: {  	p0 =	seq.s32 s10, $0x1;
	s10 =	sld [smem:$0x3FBA];
	_ =	sdelay $0x3  }
0x34: {  	[smem:$0x3FBA] =	sst s10  }
0x35: {  	s10 =	sld [smem:$0x3FB9];
	_ =	sdelay $0x3  }
0x36: {  	p1 =	seq.s32 s10, $0x1;
	s10 =	sld [smem:$0x3FBA];
	_ =	sdelay $0x3  }
0x37: {  	[smem:$0x3FBA] =	sst s10  }
0x38: {  	s10 =	sld [smem:$0x3FBB]  }
0x39: {  	_ = 	snop;
	(pc) =	sbr.ind lr, $3  }
0x3a: {  	_ = 	snop  }
0x3b: {  	_ = 	snop  }
0x3c: {  	p2 =	seq.s32 s10, $0x1;
	s10 =	sld [smem:$0x3FBA]  }
0x3d: {  	_ =	shalt  }
0x3e: {  	_ =	shalt  }
0x3f: {  	_ =	shalt  }
0x40: {  	_ =	shalt  }
0x41: {  	_ =	shalt  }
0x42: {  	_ =	shalt  }
0x43: {  	_ =	shalt  }
0x44: {  	_ =	shalt  }
0x45: {  	_ =	shalt  }
0x46: {  	_ =	shalt  }
0x47: {  	_ =	shalt  }
0x48: {  	_ =	shalt  }
0x49: {  	_ =	shalt  }
0x4a: {  	_ =	shalt  }
0x4b: {  	_ =	shalt  }
0x4c: {  	_ =	shalt  }
0x4d: {  	_ =	shalt  }
0x4e: {  	_ =	shalt  }
0x4f: {  	_ =	shalt  }
0x50: {  	_ =	shalt  }
0x51: {  	_ =	shalt  }
0x52: {  	_ =	shalt  }
0x53: {  	_ =	shalt  }
0x54: {  	_ =	shalt  }
0x55: {  	_ =	shalt  }
0x56: {  	_ =	shalt  }
0x57: {  	_ =	shalt  }
0x58: {  	_ =	shalt  }
0x59: {  	_ =	shalt  }
0x5a: {  	_ =	shalt  }
0x5b: {  	_ =	shalt  }
0x5c: {  	_ =	shalt  }
0x5d: {  	_ =	shalt  }
0x5e: {  	_ =	shalt  }
0x5f: {  	_ =	shalt  }
0x60: {  	_ =	shalt  }
0x61: {  	_ =	shalt  }
0x62: {  	_ =	shalt  }
0x63: {  	_ =	shalt  }
0x64: {  	_ =	shalt  }
0x65: {  	_ =	shalt  }
0x66: {  	_ =	shalt  }
0x67: {  	_ =	shalt  }
0x68: {  	_ =	shalt  }
0x69: {  	_ =	shalt  }
0x6a: {  	_ =	shalt  }
0x6b: {  	_ =	shalt  }
0x6c: {  	_ =	shalt  }
0x6d: {  	_ =	shalt  }
0x6e: {  	_ =	shalt  }
0x6f: {  	_ =	shalt  }
0x70: {  	_ =	shalt  }
0x71: {  	_ =	shalt  }
0x72: {  	_ =	shalt  }
0x73: {  	_ =	shalt  }
0x74: {  	_ =	shalt  }
0x75: {  	_ =	shalt  }
0x76: {  	_ =	shalt  }
0x77: {  	_ =	shalt  }
0x78: {  	_ =	shalt  }
0x79: {  	_ =	shalt  }
0x7a: {  	_ =	shalt  }
0x7b: {  	_ =	shalt  }
0x7c: {  	_ =	shalt  }
0x7d: {  	_ =	shalt  }
0x7e: {  	_ =	shalt  }
0x7f: {  	_ =	shalt  }
0x80: {  	_ =	shalt  }
0x81: {  	_ =	shalt  }
0x82: {  	_ =	shalt  }
0x83: {  	_ =	shalt  }
0x84: {  	_ =	shalt  }
0x85: {  	_ =	shalt  }
0x86: {  	_ =	shalt  }
0x87: {  	_ =	shalt  }
.Lfunc_end0:
.L_simem_size_0:
called_computation_lowered:
.L_overlay_start_0:
0x88: {  	s2 =	sld [smem:$0x3FD9]  }
0x89: {  	s3 =	sld [smem:$0x3FFE];
	_ =	sdelay $0x1  }
0x8a: {  	s1 =	srdreg.scid  }
0x8b: {  	s0 =	sand.u32 $0x1, s1  }
0x8c: {  	s17 =	sshll.u32 s0, $0xA;
	s2 =	sadd.s32 s3, s2  }
0x8d: {  	s2 =	sadd.s32 s2, s17  }
0x8e: {  	[smem:$0x3FC6] =	sst s2  }
0x8f: {  	_ = 	snop  }
0x90: {  	s2 =	sld [smem:$0x3FD0];
	(tm) =	ssettm $0x1  }
0x91: {  	s18 =	sld [smem:$0x3FFB];
	_ =	sdelay $0x3  }
0x92: {  	_ =	strace s18  }
0x93: {  	s3 =	sld [smem:$0x3FFC];
	_ =	sdelay $0x3  }
0x94: {  	_ =	strace s3  }
0x95: {  	s3 =	sld [smem:$0x3FFD];
	_ =	sdelay $0x3  }
0x96: {  	_ =	strace s3  }
0x97: {  	_ =	strace $0x8FFFFFFF  }
0x98: {  	s19 =	sld [smem:$0x3FDB];
	_ =	sdelay $0x1  }
0x99: {  	s4 =	simm.s32 $_scs_section_size  }
0x9a: {  	s5 =	simm.s32 $_size__tile_overlayer_lowered;
	s6 =	simm.s32 $_tile_overlayer_lowered  }
0x9b: {  	s22 =	simm.s32 $0x1BFF;
	s21 =	sshll.u32 s6, $0x1;
	s3 =	sadd.s32 s4, s19  }
0x9c: {  	s7 =	simm.s32 $0x0;
	s20 =	sshll.u32 s5, $0x1;
	s5 =	sadd.s32 s21, s3  }
0x9d: {  	[timem:s7], [sflag:s22] =	dma.local [hbm:s5], s20  }
0x9e: {  	_ =	swait.ge [sflag:s22], s20  }
0x9f: {  	s4 =	ssub.s32 $0x0, s20;
	[sflag:s22] =	ssyncset.done $0x0  }
0xa0: {  	[sflag:s22] =	ssyncadd.s32 s4;
	_ =	sdelay $0x1  }
0xa1: {  	s23 =	simm.s32 $0x1B8B  }
0xa2: {  	_ =	swait.ge [sflag:s23], $0x1  }
0xa3: {  	[sflag:s23] =	ssyncset.done $0x0  }
0xa4: {  	s25 =	simm.s32 $0x1B8E;
	s24 =	sld [smem:$0x3FFE];
	[sflag:s23] =	ssyncadd.s32 $0xFFFFFFFF  }
0xa5: {  	s26 =	simm.s32 $execute0_lowered;
	[smem:$0x3FD2] =	sst s25  }
0xa6: {  	s5 =	sshll.u32 s26, $0x1;
	_ =	strace $0x80000046;
	[dreg:$0x1] =	wrdreg $0xFFFFFFFF  }
0xa7: {  	s28 =	simm.s32 $_size_execute0_lowered;
	s3 =	sadd.s32 s3, s5;
	[dreg:$0x0] =	wrdreg $0x0  }
0xa8: {  	s5 =	sshll.u32 s28, $0x1;
	[dreg:$0x2] =	wrdreg s3  }
0xa9: {  	[dreg:$0x3] =	wrdreg s5  }
0xaa: {  	[dreg:$0x4] =	wrdreg $0xC0  }
0xab: {  	_ =	task [dreg:s7], $0x5FFFF  }
0xac: {  	[dreg:$0x1] =	wrdreg $0xFFFFFFFF  }
0xad: {  	[dreg:$0x0] =	wrdreg $0x60  }
0xae: {  	[dreg:$0x2] =	wrdreg s24  }
0xaf: {  	[dreg:$0x3] =	wrdreg s2  }
0xb0: {  	[dreg:$0x4] =	wrdreg $0x9  }
0xb1: {  	_ =	task.clear_ibuf [dreg:s7], $0x5FFFF;
	_ =	strace $0x90000046  }
0xb2: {  	s29 =	simm.s32 $0x9;
	_ =	strace $0x80000048  }
0xb3: {  	_ =	swait.ge [sflag:s29], $0x1  }
0xb4: {  	[sflag:s29] =	ssyncadd.s32 $0xFFFFFFFF  }
0xb5: {  	_ =	strace $0x90000048  }
0xb6: {  	_ =	sfence  }
0xb7: {  	s30 =	sld [smem:$0x0];
	_ =	sdelay $0x2  }
0xb8: {  	s31 =	sshll.u32 s1, $0xD;
	s1 =	sshrl.u32 s1, $0x2  }
0xb9: {  	s3 =	sand.u32 $0x4000, s31;
	s1 =	sadd.s32 s1, s30  }
0xba: {  	s0 =	sor.u32 s3, s0;
	s1 =	sshll.u32 s1, $0x11  }
0xbb: {  	s0 =	sor.u32 s1, s0  }
0xbc: {  	s0 =	sadd.s32 $0x8F2B, s0  }
0xbd: {  	[sflag:s0] =	ssyncadd.remote.s32 $0x1  }
0xbe: {  	_ =	sfence.sel $0xFFFF  }
0xbf: {  	[dreg:$0x0] =	wrdreg $0xFFFFFFFF;
	(pc) =	sbr.abs _section_cstart, $3  }
0xc0: {  	[dreg:$0x1] =	wrdreg $0xFFFFFFFF  }
0xc1: {  	_ =	task.clear_ibuf [dreg:s7], $0x2FFFF;
	_ =	strace $0x9FFFFFFF  }
0xc2: {  	(tm) =	ssettm $0x7FFFFFFF  }
0xc3: {  	_ =	shalt  }
tec
execute0_lowered:
.L_overlay_start_1:
0x0: {  	(tag) =	ssettag $0x1  }
0x1: {  	s1 =	srdreg.scid;
	s7 =	rddreg [dreg:$0x0]  }
0x2: {  	s0 =	stileid.u32;
	s2 =	rddreg [dreg:$0x1]  }
0x3: {  	s3 =	simm.s32 $0x0;
	s10 =	simm.s32 $0x80;
	s11 =	simm.s32 $0x100  }
0x4: {  	s12 =	simm.s32 $0x2100;
	s4 =	sand.u32 $0x1, s1;
	s30 =	sshll.u32 s0, $0x1  }
0x5: {  	s13 =	simm.s32 $0x1;
	s14 =	simm.s32 $0x4100;
	s5 =	sor.u32 s4, s30  }
0x6: {  	s15 =	simm.s32 $0x2;
	s16 =	simm.s32 $0x4;
	s6 =	smul.u32 $0x6400, s5  }
0x7: {  	s17 =	simm.s32 $0x6300;
	s1 =	rddreg [dreg:$0x2];
	s8 =	smul.u32 $0x2400, s5  }
0x8: {  	s18 =	simm.s32 $0x3;
	s19 =	simm.s32 $0x0;
	[smem:$0x7FF] =	sst s3  }
0x9: {  	s31 =	ssub.s32 $0x2, s4;
	s6 =	sand.u32 $0xFC000, s6;
	s8 =	sand.u32 $0x3C00, s8  }
0xa: {  	v0 =	vlaneseq.u32;
	_ =	strace $0x80000047;
	s4 =	sadd.s32 $0xF42A00, s7;
	s6 =	sor.u32 s8, s6  }
0xb: {  	v0 =	vmul.u32 $0x88, v0;
	s9 =	sshrl.u32 s31, $0x1;
	s5 =	smul.u32 $0xC8, s5;
	s6 =	sshrl.u32 s6, $0x3  }
0xc: {  	s8 =	ssub.s32 s31, s9;
	s9 =	simm.s32 $0x5;
	s6 =	sadd.s32 s6, s7  }
0xd: {  	v1 =	vadd.s32 $0x880, v0;
	v2 =	vadd.s32 $0x1100, v0;
	v3 =	vadd.s32 $0x1980, v0;
	s8 =	smax.u32 s8, $0x1;
	s7 =	sadd.s32 $0x610, s7;
	s6 =	sadd.s32 $0x600, s6  }
.LBB2_1:
0xe: {  	[tilespmem:s3], [sflag:$0x5] =	stream.linear.gather [hbm4b:s6+s3], $0x80, $0x38;
	[tilespmem:$0x8500] =	vst v63  }
0xf: {  	_ =	swait.ge [sflag:s9], $0x80  }
0x10: {  	[sflag:s9] =	ssyncset.done $0x0  }
0x11: {  	s20 =	simm.s32 $0x0;
	[sflag:s9] =	ssyncadd.s32 $0xFFFFFF80  }
0x12: {  	[tilespmem:s11], [sflag:$0x1] =	stream.indirect.gather [hbm4b:s4+s10], $0x40, s3, s10, $0xb8;
	[tilespmem:$0x8500] =	vst v63  }
.LBB2_2:
0x13: {  	s21 =	sshll.u32 s20, $0x1  }
0x14: {  	s22 =	sadd.s32 s5, s21  }
0x15: {  	s21 =	sshll.u32 s22, $0x4  }
0x16: {  	s21 =	sadd.s32 s21, s7  }
0x17: {  	[tilespmem:s10], [sflag:$0x5] =	stream.linear.gather [hbm4b:s21+s3], $0x80, $0x38;
	[tilespmem:$0x8500] =	vst v63  }
0x18: {  	_ =	swait.ge [sflag:s9], $0x80  }
0x19: {  	[sflag:s9] =	ssyncset.done $0x0  }
0x1a: {  	[sflag:s9] =	ssyncadd.s32 $0xFFFFFF80  }
0x1b: {  	[tilespmem:s12], [sflag:$0x2] =	stream.indirect.gather [hbm4b:s4+s10], $0x40, s10, s10, $0xb8;
	[tilespmem:$0x8500] =	vst v63  }
0x1c: {  	_ =	swait.ge [sflag:s13], $0x2000  }
0x1d: {  	p0 =	seq.s32 s20, $0x0;
	[sflag:s13] =	ssyncset.done $0x0  }
0x1e: {  	s21 =	simm.s32 @!p0 $0x3;
	[sflag:s13] =	ssyncadd.s32 $0xFFFFE000  }
0x1f: {  	s23 =	simm.s32 $0x3;
	_ =	swait.ge @!p0 [sflag:s21], $0x2000  }
0x20: {  	s31 =	simm.s32 $0x0;
	v4 =	vmov s23;
	[sflag:s21] =	ssyncset.done @!p0 $0x0  }
0x21: {  	s24 =	simm.s32 $0x180;
	s23 =	simm.s32 $0x1;
	v5 =	vand.u32 $0x7F, v4;
	v4 =	vmov s31;
	[sflag:s21] =	ssyncadd.s32 @!p0 $0xFFFFE000  }
0x22: {  	v8 =	vadd.s32 v0, v5;
	v6 =	vand.u32 $0x7C, v4;
	v4 =	vmov s23;
	v7 =	vld [tilespmem:s24+$0x40]  }
0x23: {  	v10 =	vadd.s32 v0, v6;
	v11 =	vand.u32 $0x7D, v4;
	v9 =	vld [tilespmem:s24+$0xFFFFFF80]  }
0x24: {  	s25 =	simm.s32 $0x2;
	v12 =	vadd.s32 v0, v11;
	v4 =	vld [tilespmem:s24+$0xFFFFFFC0]  }
0x25: {  	v13 =	vmov s25  }
0x26: {  	v13 =	vand.u32 $0x7E, v13  }
0x27: {  	v15 =	vadd.s32 v0, v13;
	v14 =	vld [tilespmem:s24+$0x0];
	[tilespmem:v8+s14+$0x0] =	vst.idx.msk $0xffff, v7  }
0x28: {  	v8 =	vadd.s32 v1, v5;
	[tilespmem:v10+s14+$0x0] =	vst.idx.msk $0xffff, v9;
	v7 =	vld [tilespmem:s24+$0x50]  }
0x29: {  	v10 =	vadd.s32 v1, v6;
	[tilespmem:v12+s14+$0x0] =	vst.idx.msk $0xffff, v4;
	v9 =	vld [tilespmem:s24+$0xFFFFFF90]  }
0x2a: {  	v12 =	vadd.s32 v1, v11;
	v4 =	vld [tilespmem:s24+$0xFFFFFFD0];
	_ =	sdelay $0x1  }
0x2b: {  	[tilespmem:v15+s14+$0x0] =	vst.idx.msk $0xffff, v14  }
0x2c: {  	v16 =	vadd.s32 v1, v13;
	v15 =	vld [tilespmem:s24+$0x10];
	[tilespmem:v8+s14+$0x0] =	vst.idx.msk $0xffff, v7  }
0x2d: {  	s26 =	simm.s32 $0x7;
	v14 =	vadd.s32 v2, v5;
	[tilespmem:v10+s14+$0x0] =	vst.idx.msk $0xffff, v9;
	v7 =	vld [tilespmem:s24+$0x60]  }
0x2e: {  	v10 =	vadd.s32 v2, v6;
	v8 =	vmov s26;
	[tilespmem:v12+s14+$0x0] =	vst.idx.msk $0xffff, v4;
	v9 =	vld [tilespmem:s24+$0xFFFFFFA0]  }
0x2f: {  	s23 =	simm.s32 $0x280;
	v17 =	vadd.s32 v2, v11;
	v8 =	vand.u32 $0x7F, v8;
	v12 =	vld [tilespmem:s24+$0xFFFFFFE0]  }
0x30: {  	s29 =	simm.s32 $0x4;
	v18 =	vld [tilespmem:s23+$0x40];
	v19 =	vadd.s32 v0, v8  }
0x31: {  	s30 =	simm.s32 $0x5;
	v4 =	vmov s29;
	[tilespmem:v16+s14+$0x0] =	vst.idx.msk $0xffff, v15  }
0x32: {  	v22 =	vmov s30;
	v4 =	vand.u32 $0x7C, v4;
	[tilespmem:v14+s14+$0x0] =	vst.idx.msk $0xffff, v7  }
0x33: {  	s31 =	simm.s32 $0x6;
	v20 =	vld [tilespmem:s23+$0xFFFFFF80];
	v21 =	vadd.s32 v0, v4;
	v7 =	vand.u32 $0x7D, v22;
	[tilespmem:v10+s14+$0x0] =	vst.idx.msk $0xffff, v9  }
0x34: {  	v14 =	vmov s31;
	v9 =	vld [tilespmem:s23+$0xFFFFFFC0];
	[tilespmem:v17+s14+$0x0] =	vst.idx.msk $0xffff, v12;
	v10 =	vadd.s32 v0, v7  }
0x35: {  	v16 =	vadd.s32 v3, v5;
	v12 =	vld [tilespmem:s24+$0x20];
	v5 =	vand.u32 $0x7E, v14;
	[tilespmem:v19+s14+$0x0] =	vst.idx.msk $0xffff, v18;
	v18 =	vadd.s32 v2, v13  }
0x36: {  	v14 =	vld [tilespmem:s23+$0x0];
	v63 =	vadd.s32 v0, v5  }
0x37: {  	v15 =	vld [tilespmem:s24+$0x70]  }
0x38: {  	[tilespmem:v21+s14+$0x0] =	vst.idx.msk $0xffff, v20;
	v20 =	vadd.s32 v1, v8;
	v19 =	vld [tilespmem:s23+$0x50]  }
0x39: {  	v23 =	vadd.s32 v1, v4;
	v21 =	vld [tilespmem:s23+$0xFFFFFF90];
	[tilespmem:v10+s14+$0x0] =	vst.idx.msk $0xffff, v9  }
0x3a: {  	v25 =	vadd.s32 v3, v11;
	v24 =	vld [tilespmem:s24+$0xFFFFFFF0];
	[tilespmem:v18+s14+$0x0] =	vst.idx.msk $0xffff, v12  }
0x3b: {  	v18 =	vadd.s32 v1, v7;
	v17 =	vld [tilespmem:s23+$0xFFFFFFD0];
	[tilespmem:v63+s14+$0x0] =	vst.idx.msk $0xffff, v14  }
0x3c: {  	[tilespmem:v16+s14+$0x0] =	vst.idx.msk $0xffff, v15;
	v16 =	vadd.s32 v1, v5;
	v14 =	vld [tilespmem:s23+$0x10]  }
0x3d: {  	v15 =	vadd.s32 v3, v13;
	[tilespmem:v20+s14+$0x0] =	vst.idx.msk $0xffff, v19;
	v10 =	vld [tilespmem:s24+$0x30]  }
0x3e: {  	s28 =	simm.s32 $0xB;
	v12 =	vadd.s32 v2, v8;
	[tilespmem:v23+s14+$0x0] =	vst.idx.msk $0xffff, v21;
	v9 =	vld [tilespmem:s23+$0x60]  }
0x3f: {  	s25 =	simm.s32 $0x8;
	s21 =	sshllo.u32 s20, $0x1;
	s26 =	simm.s32 $0xC;
	v13 =	vadd.s32 v2, v4;
	[tilespmem:v25+s14+$0x0] =	vst.idx.msk $0xffff, v24;
	v11 =	vld [tilespmem:s23+$0xFFFFFFA0]  }
.LBB2_3:
0x40: {  	p1 =	slt.u32 s26, $0x7C;
	v19 =	vmov s28;
	[tilespmem:v18+s14+$0x0] =	vst.idx.msk $0xffff, v17;
	v17 =	vld [tilespmem:s24+$0xFFFFFFB0];
	v18 =	vadd.s32 v3, v6;
	v6 =	vmov v4;
	s24 =	smov.u32 s23  }
0x41: {  	v4 =	vmov s25;
	v21 =	vadd.s32 v2, v7;
	s23 =	sadd.s32 $0x100, s23;
	v19 =	vand.u32 $0x7F, v19;
	v20 =	vld [tilespmem:s24+$0xFFFFFFE0];
	[tilespmem:v16+s14+$0x0] =	vst.idx.msk $0xffff, v14  }
0x42: {  	s28 =	sadd.s32 $0x1, s25;
	v4 =	vand.u32 $0x7C, v4;
	v14 =	vld [tilespmem:s23+$0x40];
	v16 =	vadd.s32 v0, v19;
	[tilespmem:v15+s14+$0x0] =	vst.idx.msk $0xffff, v10  }
0x43: {  	v22 =	vmov s28;
	s28 =	sadd.s32 $0x2, s25;
	s25 =	smov.u32 s26;
	v15 =	vadd.s32 v0, v4;
	v10 =	vld [tilespmem:s23+$0xFFFFFF80];
	[tilespmem:v12+s14+$0x0] =	vst.idx.msk $0xffff, v9  }
0x44: {  	v9 =	vand.u32 $0x7D, v22;
	v12 =	vmov s28;
	[tilespmem:v13+s14+$0x0] =	vst.idx.msk $0xffff, v11;
	v11 =	vld [tilespmem:s24+$0x70];
	v13 =	vadd.s32 v3, v8;
	v8 =	vmovc v19  }
0x45: {  	v22 =	vadd.s32 v0, v9;
	v12 =	vand.u32 $0x7E, v12;
	v19 =	vld [tilespmem:s23+$0xFFFFFFC0];
	[tilespmem:v18+s14+$0x0] =	vst.idx.msk $0xffff, v17  }
0x46: {  	v24 =	vadd.s32 v0, v12;
	v23 =	vld [tilespmem:s23+$0x0];
	[tilespmem:v21+s14+$0x0] =	vst.idx.msk $0xffff, v20  }
0x47: {  	v21 =	vadd.s32 v2, v5;
	[tilespmem:v16+s14+$0x0] =	vst.idx.msk $0xffff, v14;
	v20 =	vld [tilespmem:s24+$0x20]  }
0x48: {  	[tilespmem:v15+s14+$0x0] =	vst.idx.msk $0xffff, v10;
	v10 =	vld [tilespmem:s23+$0x50];
	v15 =	vadd.s32 v1, v8  }
0x49: {  	v26 =	vadd.s32 v1, v4;
	v25 =	vld [tilespmem:s23+$0xFFFFFF90];
	[tilespmem:v13+s14+$0x0] =	vst.idx.msk $0xffff, v11  }
0x4a: {  	[tilespmem:v22+s14+$0x0] =	vst.idx.msk $0xffff, v19;
	v19 =	vld [tilespmem:s24+$0xFFFFFFF0];
	v22 =	vadd.s32 v3, v7;
	v7 =	vmov v9  }
.Ltmp0:
0x4b: {  	v17 =	vld [tilespmem:s23+$0xFFFFFFD0];
	v18 =	vadd.s32 v1, v7;
	[tilespmem:v24+s14+$0x0] =	vst.idx.msk $0xffff, v23;
	(pc) =	sbr.rel @p1 .LBB2_3-.Ltmp0, $4  }
0x4c: {  	v16 =	vadd.s32 v1, v12;
	v14 =	vld [tilespmem:s23+$0x10];
	[tilespmem:v21+s14+$0x0] =	vst.idx.msk $0xffff, v20  }
0x4d: {  	[tilespmem:v15+s14+$0x0] =	vst.idx.msk $0xffff, v10;
	v10 =	vld [tilespmem:s24+$0x30];
	v15 =	vadd.s32 v3, v5;
	v5 =	vmov v12  }
0x4e: {  	v12 =	vadd.s32 v2, v8;
	[tilespmem:v26+s14+$0x0] =	vst.idx.msk $0xffff, v25;
	v9 =	vld [tilespmem:s23+$0x60]  }
0x4f: {  	s26 =	sadd.s32 $0x4, s26;
	s28 =	sadd.s32 $0x3, s25;
	v13 =	vadd.s32 v2, v4;
	v11 =	vld [tilespmem:s23+$0xFFFFFFA0];
	[tilespmem:v22+s14+$0x0] =	vst.idx.msk $0xffff, v19  }
0x50: {  	_ =	sdelay $0x2  }
0x51: {  	v19 =	vmov s28  }
0x52: {  	s26 =	sadd.s32 $0x1, s25;
	[tilespmem:v18+s14+$0x0] =	vst.idx.msk $0xffff, v17;
	v30 =	vld [tilespmem:s24+$0xFFFFFFB0];
	v6 =	vadd.s32 v3, v6;
	s28 =	sadd.s32 $0x100, s23;
	v21 =	vmov s25;
	v31 =	vand.u32 $0x7F, v19  }
0x53: {  	s29 =	sadd.s32 $0x2, s25;
	v32 =	vmov s26;
	[tilespmem:v16+s14+$0x0] =	vst.idx.msk $0xffff, v14;
	v33 =	vld [tilespmem:s28+$0x40];
	v21 =	vand.u32 $0x7C, v21;
	v34 =	vadd.s32 v0, v31  }
0x54: {  	v20 =	vmov s29;
	v22 =	vld [tilespmem:s28+$0xFFFFFF80];
	v19 =	vand.u32 $0x7D, v32;
	[tilespmem:v15+s14+$0x0] =	vst.idx.msk $0xffff, v10;
	v39 =	vadd.s32 v0, v21  }
0x55: {  	v35 =	vld [tilespmem:s28+$0xFFFFFFC0];
	v20 =	vand.u32 $0x7E, v20;
	v36 =	vadd.s32 v0, v19;
	[tilespmem:v12+s14+$0x0] =	vst.idx.msk $0xffff, v9  }
0x56: {  	v37 =	vld [tilespmem:s28+$0x0];
	v38 =	vadd.s32 v0, v20;
	[tilespmem:v13+s14+$0x0] =	vst.idx.msk $0xffff, v11  }
0x57: {  	v41 =	vadd.s32 v2, v7;
	v40 =	vld [tilespmem:s23+$0xFFFFFFE0];
	[tilespmem:v6+s14+$0x0] =	vst.idx.msk $0xffff, v30  }
0x58: {  	v49 =	vadd.s32 v2, v5;
	v48 =	vld [tilespmem:s23+$0x20];
	[tilespmem:v34+s14+$0x0] =	vst.idx.msk $0xffff, v33  }
0x59: {  	v43 =	vadd.s32 v1, v31;
	[tilespmem:v39+s14+$0x0] =	vst.idx.msk $0xffff, v22;
	v14 =	vld [tilespmem:s28+$0x50]  }
0x5a: {  	v47 =	vadd.s32 v1, v21;
	[tilespmem:v36+s14+$0x0] =	vst.idx.msk $0xffff, v35;
	v46 =	vld [tilespmem:s28+$0xFFFFFF90]  }
0x5b: {  	v44 =	vadd.s32 v1, v19;
	[tilespmem:v38+s14+$0x0] =	vst.idx.msk $0xffff, v37;
	v10 =	vld [tilespmem:s28+$0xFFFFFFD0]  }
0x5c: {  	v45 =	vadd.s32 v1, v20;
	[tilespmem:v41+s14+$0x0] =	vst.idx.msk $0xffff, v40;
	v9 =	vld [tilespmem:s28+$0x10]  }
0x5d: {  	v8 =	vadd.s32 v3, v8;
	v42 =	vld [tilespmem:s23+$0x70];
	[tilespmem:v49+s14+$0x0] =	vst.idx.msk $0xffff, v48  }
0x5e: {  	v5 =	vadd.s32 v3, v5;
	v13 =	vld [tilespmem:s23+$0x30];
	[tilespmem:v43+s14+$0x0] =	vst.idx.msk $0xffff, v14  }
0x5f: {  	v52 =	vadd.s32 v2, v31;
	[tilespmem:v47+s14+$0x0] =	vst.idx.msk $0xffff, v46;
	v14 =	vld [tilespmem:s28+$0x60]  }
0x60: {  	v57 =	vadd.s32 v2, v21;
	[tilespmem:v44+s14+$0x0] =	vst.idx.msk $0xffff, v10;
	v56 =	vld [tilespmem:s28+$0xFFFFFFA0]  }
0x61: {  	v53 =	vadd.s32 v2, v19;
	[tilespmem:v45+s14+$0x0] =	vst.idx.msk $0xffff, v9;
	v10 =	vld [tilespmem:s28+$0xFFFFFFE0]  }
0x62: {  	v55 =	vadd.s32 v2, v20;
	[tilespmem:v8+s14+$0x0] =	vst.idx.msk $0xffff, v42;
	v54 =	vld [tilespmem:s28+$0x20]  }
0x63: {  	v4 =	vadd.s32 v3, v4;
	v58 =	vld [tilespmem:s23+$0xFFFFFFB0];
	[tilespmem:v5+s14+$0x0] =	vst.idx.msk $0xffff, v13  }
0x64: {  	v51 =	vadd.s32 v3, v7;
	v50 =	vld [tilespmem:s23+$0xFFFFFFF0];
	[tilespmem:v52+s14+$0x0] =	vst.idx.msk $0xffff, v14  }
0x65: {  	v60 =	vadd.s32 v3, v31;
	[tilespmem:v57+s14+$0x0] =	vst.idx.msk $0xffff, v56;
	v59 =	vld [tilespmem:s28+$0x70]  }
0x66: {  	v63 =	vadd.s32 v3, v21;
	[tilespmem:v53+s14+$0x0] =	vst.idx.msk $0xffff, v10;
	v5 =	vld [tilespmem:s28+$0xFFFFFFB0]  }
0x67: {  	v61 =	vadd.s32 v3, v19;
	[tilespmem:v55+s14+$0x0] =	vst.idx.msk $0xffff, v54;
	v10 =	vld [tilespmem:s28+$0xFFFFFFF0]  }
0x68: {  	v62 =	vadd.s32 v3, v20;
	[tilespmem:v4+s14+$0x0] =	vst.idx.msk $0xffff, v58;
	v6 =	vld [tilespmem:s28+$0x30]  }
0x69: {  	[tilespmem:v51+s14+$0x0] =	vst.idx.msk $0xffff, v50  }
0x6a: {  	s30 =	sshll.u32 s22, $0x7;
	[tilespmem:v60+s14+$0x0] =	vst.idx.msk $0xffff, v59  }
0x6b: {  	s31 =	sshll.u32 s22, $0xA;
	s23 =	sand.u32 $0x3F00, s30;
	[tilespmem:v63+s14+$0x0] =	vst.idx.msk $0xffff, v5  }
0x6c: {  	s22 =	sand.u32 $0xFFE0000, s31;
	s23 =	sadd.s32 s2, s23;
	[tilespmem:v61+s14+$0x0] =	vst.idx.msk $0xffff, v10  }
0x6d: {  	s24 =	simm.s32 $0x4100;
	s23 =	sadd.s32 s22, s23;
	[tilespmem:v62+s14+$0x0] =	vst.idx.msk $0xffff, v6  }
0x6e: {  	[hbm4b:s23+s3] =	stream.linear.scatter [tilespmem:s24], [sflag:$0x3], $0x80, $0x38;
	[tilespmem:$0x8500] =	vst v63  }
0x6f: {  	s25 =	simm.s32 $0x4188;
	s26 =	sadd.s32 $0x10, s23  }
0x70: {  	[hbm4b:s26+s3] =	stream.linear.scatter [tilespmem:s25], [sflag:$0x3], $0x80, $0x38;
	[tilespmem:$0x8500] =	vst v63  }
0x71: {  	s30 =	simm.s32 $0x4298;
	s29 =	sadd.s32 $0x20, s23;
	s28 =	simm.s32 $0x4210  }
0x72: {  	[hbm4b:s29+s3] =	stream.linear.scatter [tilespmem:s28], [sflag:$0x3], $0x80, $0x38;
	[tilespmem:$0x8500] =	vst v63  }
0x73: {  	s22 =	simm.s32 $0x440;
	s31 =	sadd.s32 $0x30, s23;
	s24 =	simm.s32 $0x2200  }
0x74: {  	[hbm4b:s31+s3] =	stream.linear.scatter [tilespmem:s30], [sflag:$0x3], $0x80, $0x38;
	[tilespmem:$0x8500] =	vst v63  }
0x75: {  	s25 =	simm.s32 $0x4320;
	s26 =	sadd.s32 $0x40, s23;
	s28 =	simm.s32 $0x43A8  }
0x76: {  	[hbm4b:s26+s3] =	stream.linear.scatter [tilespmem:s25], [sflag:$0x3], $0x80, $0x38;
	[tilespmem:$0x8500] =	vst v63  }
0x77: {  	s29 =	sadd.s32 $0x50, s23;
	s30 =	simm.s32 $0x4430;
	s31 =	sadd.s32 $0x60, s23  }
0x78: {  	[hbm4b:s29+s3] =	stream.linear.scatter [tilespmem:s28], [sflag:$0x3], $0x80, $0x38;
	[tilespmem:$0x8500] =	vst v63  }
0x79: {  	s25 =	simm.s32 $0x44B8;
	s26 =	sadd.s32 $0x70, s23;
	s23 =	sadd.s32 $0x4000, s23  }
0x7a: {  	[hbm4b:s31+s3] =	stream.linear.scatter [tilespmem:s30], [sflag:$0x3], $0x80, $0x38;
	[tilespmem:$0x8500] =	vst v63  }
.LBB2_5:
0x7b: {  	[hbm4b:s26+s3] =	stream.linear.scatter [tilespmem:s25], [sflag:$0x3], $0x80, $0x38;
	[tilespmem:$0x8500] =	vst v63  }
0x7c: {  	s25 =	smov.u32 s22;
	s22 =	smov.u32 s24  }
0x7d: {  	s28 =	sadd.s32 $0x1100, s24;
	s22 =	sshra.s32 s22, $0x2;
	s26 =	sadd.s32 $0x4100, s25  }
0x7e: {  	[hbm4b:s23+s3] =	stream.linear.scatter [tilespmem:s26], [sflag:$0x3], $0x80, $0x38;
	[tilespmem:$0x8500] =	vst v63  }
0x7f: {  	p1 =	sne.s32 s24, $0x7700;
	s24 =	sadd.s32 $0x4188, s25;
	s26 =	sadd.s32 $0x10, s23  }
0x80: {  	[hbm4b:s26+s3] =	stream.linear.scatter [tilespmem:s24], [sflag:$0x3], $0x80, $0x38;
	[tilespmem:$0x8500] =	vst v63  }
0x81: {  	s24 =	sadd.s32 $0x4210, s25;
	s26 =	sadd.s32 $0x20, s23  }
0x82: {  	[hbm4b:s26+s3] =	stream.linear.scatter [tilespmem:s24], [sflag:$0x3], $0x80, $0x38;
	[tilespmem:$0x8500] =	vst v63  }
0x83: {  	s24 =	sadd.s32 $0x4298, s25;
	s26 =	sadd.s32 $0x30, s23  }
0x84: {  	[hbm4b:s26+s3] =	stream.linear.scatter [tilespmem:s24], [sflag:$0x3], $0x80, $0x38;
	[tilespmem:$0x8500] =	vst v63  }
0x85: {  	s24 =	sadd.s32 $0x4320, s25;
	s26 =	sadd.s32 $0x40, s23  }
0x86: {  	[hbm4b:s26+s3] =	stream.linear.scatter [tilespmem:s24], [sflag:$0x3], $0x80, $0x38;
	[tilespmem:$0x8500] =	vst v63  }
.Ltmp1:
0x87: {  	s24 =	sadd.s32 $0x43A8, s25;
	s26 =	sadd.s32 $0x50, s23;
	(pc) =	sbr.rel @p1 .LBB2_5-.Ltmp1, $4  }
0x88: {  	[hbm4b:s26+s3] =	stream.linear.scatter [tilespmem:s24], [sflag:$0x3], $0x80, $0x38;
	[tilespmem:$0x8500] =	vst v63  }
0x89: {  	s24 =	sadd.s32 $0x4430, s25;
	s26 =	sadd.s32 $0x60, s23;
	s25 =	sadd.s32 $0x44B8, s25  }
0x8a: {  	[hbm4b:s26+s3] =	stream.linear.scatter [tilespmem:s24], [sflag:$0x3], $0x80, $0x38;
	[tilespmem:$0x8500] =	vst v63  }
0x8b: {  	s26 =	sadd.s32 $0x70, s23;
	s23 =	sadd.s32 $0x4000, s23;
	s24 =	smov.u32 s28  }
0x8c: {  	[hbm4b:s26+s3] =	stream.linear.scatter [tilespmem:s25], [sflag:$0x3], $0x80, $0x38;
	[tilespmem:$0x8500] =	vst v63  }
0x8d: {  	s24 =	sadd.s32 $0x4100, s22  }
0x8e: {  	[hbm4b:s23+s3] =	stream.linear.scatter [tilespmem:s24], [sflag:$0x3], $0x80, $0x38;
	[tilespmem:$0x8500] =	vst v63  }
0x8f: {  	s30 =	sadd.s32 $0x4188, s22;
	s31 =	sadd.s32 $0x10, s23  }
0x90: {  	[hbm4b:s31+s3] =	stream.linear.scatter [tilespmem:s30], [sflag:$0x3], $0x80, $0x38;
	[tilespmem:$0x8500] =	vst v63  }
0x91: {  	s25 =	sadd.s32 $0x4210, s22;
	s26 =	sadd.s32 $0x20, s23  }
0x92: {  	[hbm4b:s26+s3] =	stream.linear.scatter [tilespmem:s25], [sflag:$0x3], $0x80, $0x38;
	[tilespmem:$0x8500] =	vst v63  }
0x93: {  	s28 =	sadd.s32 $0x4298, s22;
	s29 =	sadd.s32 $0x30, s23  }
0x94: {  	[hbm4b:s29+s3] =	stream.linear.scatter [tilespmem:s28], [sflag:$0x3], $0x80, $0x38;
	[tilespmem:$0x8500] =	vst v63  }
0x95: {  	s30 =	sadd.s32 $0x4320, s22;
	s31 =	sadd.s32 $0x40, s23  }
0x96: {  	[hbm4b:s31+s3] =	stream.linear.scatter [tilespmem:s30], [sflag:$0x3], $0x80, $0x38;
	[tilespmem:$0x8500] =	vst v63  }
0x97: {  	p1 =	sne.s32 s20, $0x63;
	s25 =	sadd.s32 $0x43A8, s22;
	s26 =	sadd.s32 $0x50, s23  }
0x98: {  	[hbm4b:s26+s3] =	stream.linear.scatter [tilespmem:s25], [sflag:$0x3], $0x80, $0x38;
	[tilespmem:$0x8500] =	vst v63  }
.Ltmp2:
0x99: {  	_ = 	snop;
	(pc) =	sbr.rel @p1 .LBB2_8-.Ltmp2, $4  }
0x9a: {  	s28 =	sadd.s32 $0x4430, s22;
	s29 =	sadd.s32 $0x60, s23  }
0x9b: {  	[hbm4b:s29+s3] =	stream.linear.scatter [tilespmem:s28], [sflag:$0x3], $0x80, $0x38;
	[tilespmem:$0x8500] =	vst v63  }
0x9c: {  	s21 =	sadd.s32 s5, s21;
	s30 =	sadd.s32 $0x44B8, s22;
	s31 =	sadd.s32 $0x70, s23  }
0x9d: {  	[hbm4b:s31+s3] =	stream.linear.scatter [tilespmem:s30], [sflag:$0x3], $0x80, $0x38;
	[tilespmem:$0x8500] =	vst v63  }
.Ltmp3:
0x9e: {  	(pc) =	sbr.rel .LBB2_9-.Ltmp3, $4  }
0x9f: {  	_ = 	snop  }
0xa0: {  	_ =	swait.ge [sflag:s15], $0x2000  }
0xa1: {  	[sflag:s15] =	ssyncset.done $0x0  }
0xa2: {  	[sflag:s15] =	ssyncadd.s32 $0xFFFFE000  }
.LBB2_8:
0xa3: {  	s22 =	sshll.u32 s21, $0x4  }
0xa4: {  	s22 =	sadd.s32 s7, s22  }
0xa5: {  	[tilespmem:s3], [sflag:$0x5] =	stream.linear.gather [hbm4b:s22+s3], $0x80, $0x38;
	[tilespmem:$0x8500] =	vst v63  }
0xa6: {  	_ =	swait.ge [sflag:s9], $0x80  }
0xa7: {  	[sflag:s9] =	ssyncset.done $0x0  }
.Ltmp4:
0xa8: {  	[sflag:s9] =	ssyncadd.s32 $0xFFFFFF80;
	(pc) =	sbr.rel @p0 .LBB2_10-.Ltmp4, $4  }
0xa9: {  	[tilespmem:s11], [sflag:$0x1] =	stream.indirect.gather [hbm4b:s4+s10], $0x40, s3, s10, $0xb8;
	[tilespmem:$0x8500] =	vst v63  }
0xaa: {  	_ =	swait.ge [sflag:s15], $0x2000  }
0xab: {  	[sflag:s15] =	ssyncset.done $0x0  }
0xac: {  	[sflag:s15] =	ssyncadd.s32 $0xFFFFE000  }
.LBB2_9:
0xad: {  	_ =	swait.ge [sflag:s16], $0x2000  }
0xae: {  	[sflag:s16] =	ssyncset.done $0x0  }
0xaf: {  	[sflag:s16] =	ssyncadd.s32 $0xFFFFE000  }
.LBB2_10:
0xb0: {  	s22 =	simm.s32 $0x3  }
0xb1: {  	s25 =	simm.s32 $0x0;
	v4 =	vmov s22  }
0xb2: {  	s23 =	simm.s32 $0x2180;
	v5 =	vand.u32 $0x7F, v4;
	v4 =	vmov s25  }
0xb3: {  	s26 =	simm.s32 $0x1;
	v7 =	vld [tilespmem:s23+$0x40];
	v8 =	vadd.s32 v0, v5;
	v6 =	vand.u32 $0x7C, v4  }
0xb4: {  	v9 =	vld [tilespmem:s23+$0xFFFFFF80];
	v4 =	vmov s26;
	v10 =	vadd.s32 v0, v6  }
0xb5: {  	s28 =	simm.s32 $0x2;
	v11 =	vand.u32 $0x7D, v4  }
0xb6: {  	v13 =	vmov s28;
	v4 =	vld [tilespmem:s23+$0xFFFFFFC0];
	v12 =	vadd.s32 v0, v11  }
0xb7: {  	v13 =	vand.u32 $0x7E, v13  }
0xb8: {  	v14 =	vld [tilespmem:s23+$0x0];
	v15 =	vadd.s32 v0, v13;
	[tilespmem:v8+s17+$0x0] =	vst.idx.msk $0xffff, v7  }
0xb9: {  	v8 =	vadd.s32 v1, v5;
	v7 =	vld [tilespmem:s23+$0x50];
	[tilespmem:v10+s17+$0x0] =	vst.idx.msk $0xffff, v9  }
0xba: {  	v10 =	vadd.s32 v1, v6;
	v9 =	vld [tilespmem:s23+$0xFFFFFF90]  }
0xbb: {  	[tilespmem:v12+s17+$0x0] =	vst.idx.msk $0xffff, v4  }
0xbc: {  	v12 =	vadd.s32 v1, v11;
	v4 =	vld [tilespmem:s23+$0xFFFFFFD0]  }
0xbd: {  	[tilespmem:v15+s17+$0x0] =	vst.idx.msk $0xffff, v14  }
0xbe: {  	s29 =	simm.s32 $0x7;
	v16 =	vadd.s32 v1, v13;
	v15 =	vld [tilespmem:s23+$0x10];
	[tilespmem:v8+s17+$0x0] =	vst.idx.msk $0xffff, v7  }
0xbf: {  	v14 =	vadd.s32 v2, v5;
	v8 =	vmov s29;
	v7 =	vld [tilespmem:s23+$0x60];
	[tilespmem:v10+s17+$0x0] =	vst.idx.msk $0xffff, v9  }
0xc0: {  	s22 =	simm.s32 $0x2280;
	v10 =	vadd.s32 v2, v6;
	v8 =	vand.u32 $0x7F, v8;
	v9 =	vld [tilespmem:s23+$0xFFFFFFA0]  }
0xc1: {  	s24 =	simm.s32 $0x4;
	v18 =	vld [tilespmem:s22+$0x40];
	[tilespmem:v12+s17+$0x0] =	vst.idx.msk $0xffff, v4;
	v19 =	vadd.s32 v0, v8  }
0xc2: {  	s30 =	simm.s32 $0x5;
	v17 =	vadd.s32 v2, v11;
	v4 =	vmov s24;
	v12 =	vld [tilespmem:s23+$0xFFFFFFE0]  }
0xc3: {  	s31 =	simm.s32 $0x6;
	v22 =	vmov s30;
	[tilespmem:v16+s17+$0x0] =	vst.idx.msk $0xffff, v15;
	v4 =	vand.u32 $0x7C, v4  }
0xc4: {  	v20 =	vld [tilespmem:s22+$0xFFFFFF80];
	v21 =	vadd.s32 v0, v4;
	[tilespmem:v14+s17+$0x0] =	vst.idx.msk $0xffff, v7;
	v7 =	vand.u32 $0x7D, v22;
	v14 =	vmov s31  }
0xc5: {  	v16 =	vadd.s32 v3, v5;
	[tilespmem:v10+s17+$0x0] =	vst.idx.msk $0xffff, v9;
	v9 =	vld [tilespmem:s22+$0xFFFFFFC0];
	v10 =	vadd.s32 v0, v7;
	v5 =	vand.u32 $0x7E, v14  }
0xc6: {  	v14 =	vld [tilespmem:s22+$0x0];
	[tilespmem:v19+s17+$0x0] =	vst.idx.msk $0xffff, v18;
	v63 =	vadd.s32 v0, v5  }
0xc7: {  	v18 =	vadd.s32 v2, v13;
	[tilespmem:v17+s17+$0x0] =	vst.idx.msk $0xffff, v12;
	v12 =	vld [tilespmem:s23+$0x20]  }
0xc8: {  	v15 =	vld [tilespmem:s23+$0x70]  }
0xc9: {  	v19 =	vld [tilespmem:s22+$0x50];
	[tilespmem:v21+s17+$0x0] =	vst.idx.msk $0xffff, v20;
	v20 =	vadd.s32 v1, v8  }
0xca: {  	v23 =	vadd.s32 v1, v4;
	v21 =	vld [tilespmem:s22+$0xFFFFFF90];
	[tilespmem:v10+s17+$0x0] =	vst.idx.msk $0xffff, v9  }
0xcb: {  	v25 =	vadd.s32 v3, v11;
	v24 =	vld [tilespmem:s23+$0xFFFFFFF0];
	[tilespmem:v63+s17+$0x0] =	vst.idx.msk $0xffff, v14  }
0xcc: {  	v17 =	vld [tilespmem:s22+$0xFFFFFFD0];
	[tilespmem:v18+s17+$0x0] =	vst.idx.msk $0xffff, v12;
	v18 =	vadd.s32 v1, v7  }
0xcd: {  	[tilespmem:v16+s17+$0x0] =	vst.idx.msk $0xffff, v15;
	v16 =	vadd.s32 v1, v5;
	v15 =	vld [tilespmem:s22+$0x10]  }
0xce: {  	v14 =	vadd.s32 v3, v13;
	[tilespmem:v20+s17+$0x0] =	vst.idx.msk $0xffff, v19;
	v11 =	vld [tilespmem:s23+$0x30]  }
0xcf: {  	v12 =	vadd.s32 v2, v8;
	[tilespmem:v23+s17+$0x0] =	vst.idx.msk $0xffff, v21;
	v9 =	vld [tilespmem:s22+$0x60]  }
0xd0: {  	s25 =	simm.s32 $0xC;
	s26 =	simm.s32 $0xB;
	s24 =	simm.s32 $0x8;
	v13 =	vadd.s32 v2, v4;
	[tilespmem:v25+s17+$0x0] =	vst.idx.msk $0xffff, v24;
	v10 =	vld [tilespmem:s22+$0xFFFFFFA0]  }
.LBB2_11:
0xd1: {  	p0 =	slt.u32 s25, $0x7C;
	v19 =	vmov s26;
	[tilespmem:v18+s17+$0x0] =	vst.idx.msk $0xffff, v17;
	v17 =	vld [tilespmem:s23+$0xFFFFFFB0];
	v18 =	vadd.s32 v3, v6;
	v6 =	vmov v4;
	s23 =	smov.u32 s22  }
0xd2: {  	v4 =	vmov s24;
	v21 =	vadd.s32 v2, v7;
	s22 =	sadd.s32 $0x100, s22;
	v19 =	vand.u32 $0x7F, v19;
	v20 =	vld [tilespmem:s23+$0xFFFFFFE0];
	[tilespmem:v16+s17+$0x0] =	vst.idx.msk $0xffff, v15  }
0xd3: {  	s26 =	sadd.s32 $0x1, s24;
	v4 =	vand.u32 $0x7C, v4;
	v15 =	vld [tilespmem:s22+$0x40];
	v16 =	vadd.s32 v0, v19;
	[tilespmem:v14+s17+$0x0] =	vst.idx.msk $0xffff, v11  }
0xd4: {  	v22 =	vmov s26;
	s26 =	sadd.s32 $0x2, s24;
	s24 =	smov.u32 s25;
	v14 =	vadd.s32 v0, v4;
	v11 =	vld [tilespmem:s22+$0xFFFFFF80];
	[tilespmem:v12+s17+$0x0] =	vst.idx.msk $0xffff, v9  }
0xd5: {  	v9 =	vand.u32 $0x7D, v22;
	v12 =	vmov s26;
	[tilespmem:v13+s17+$0x0] =	vst.idx.msk $0xffff, v10;
	v10 =	vld [tilespmem:s23+$0x70];
	v13 =	vadd.s32 v3, v8;
	v8 =	vmovc v19  }
0xd6: {  	v22 =	vadd.s32 v0, v9;
	v12 =	vand.u32 $0x7E, v12;
	v19 =	vld [tilespmem:s22+$0xFFFFFFC0];
	[tilespmem:v18+s17+$0x0] =	vst.idx.msk $0xffff, v17  }
0xd7: {  	v24 =	vadd.s32 v0, v12;
	v23 =	vld [tilespmem:s22+$0x0];
	[tilespmem:v21+s17+$0x0] =	vst.idx.msk $0xffff, v20  }
0xd8: {  	v21 =	vadd.s32 v2, v5;
	[tilespmem:v16+s17+$0x0] =	vst.idx.msk $0xffff, v15;
	v20 =	vld [tilespmem:s23+$0x20]  }
0xd9: {  	[tilespmem:v14+s17+$0x0] =	vst.idx.msk $0xffff, v11;
	v11 =	vld [tilespmem:s22+$0x50];
	v14 =	vadd.s32 v1, v8  }
0xda: {  	v26 =	vadd.s32 v1, v4;
	v25 =	vld [tilespmem:s22+$0xFFFFFF90];
	[tilespmem:v13+s17+$0x0] =	vst.idx.msk $0xffff, v10  }
0xdb: {  	[tilespmem:v22+s17+$0x0] =	vst.idx.msk $0xffff, v19;
	v19 =	vld [tilespmem:s23+$0xFFFFFFF0];
	v22 =	vadd.s32 v3, v7;
	v7 =	vmov v9  }
.Ltmp5:
0xdc: {  	v17 =	vld [tilespmem:s22+$0xFFFFFFD0];
	v18 =	vadd.s32 v1, v7;
	[tilespmem:v24+s17+$0x0] =	vst.idx.msk $0xffff, v23;
	(pc) =	sbr.rel @p0 .LBB2_11-.Ltmp5, $4  }
0xdd: {  	v16 =	vadd.s32 v1, v12;
	v15 =	vld [tilespmem:s22+$0x10];
	[tilespmem:v21+s17+$0x0] =	vst.idx.msk $0xffff, v20  }
0xde: {  	[tilespmem:v14+s17+$0x0] =	vst.idx.msk $0xffff, v11;
	v11 =	vld [tilespmem:s23+$0x30];
	v14 =	vadd.s32 v3, v5;
	v5 =	vmov v12  }
0xdf: {  	v12 =	vadd.s32 v2, v8;
	[tilespmem:v26+s17+$0x0] =	vst.idx.msk $0xffff, v25;
	v9 =	vld [tilespmem:s22+$0x60]  }
0xe0: {  	s25 =	sadd.s32 $0x4, s25;
	s26 =	sadd.s32 $0x3, s24;
	v13 =	vadd.s32 v2, v4;
	v10 =	vld [tilespmem:s22+$0xFFFFFFA0];
	[tilespmem:v22+s17+$0x0] =	vst.idx.msk $0xffff, v19  }
0xe1: {  	_ =	sdelay $0x2  }
0xe2: {  	v19 =	vmov s26  }
0xe3: {  	s25 =	sadd.s32 $0x1, s24;
	[tilespmem:v18+s17+$0x0] =	vst.idx.msk $0xffff, v17;
	v30 =	vld [tilespmem:s23+$0xFFFFFFB0];
	v6 =	vadd.s32 v3, v6;
	s30 =	sadd.s32 $0x100, s22;
	v21 =	vmov s24;
	v31 =	vand.u32 $0x7F, v19  }
0xe4: {  	s31 =	sadd.s32 $0x2, s24;
	v32 =	vmov s25;
	[tilespmem:v16+s17+$0x0] =	vst.idx.msk $0xffff, v15;
	v33 =	vld [tilespmem:s30+$0x40];
	v21 =	vand.u32 $0x7C, v21;
	v34 =	vadd.s32 v0, v31  }
0xe5: {  	v20 =	vmov s31;
	v22 =	vld [tilespmem:s30+$0xFFFFFF80];
	v19 =	vand.u32 $0x7D, v32;
	[tilespmem:v14+s17+$0x0] =	vst.idx.msk $0xffff, v11;
	v39 =	vadd.s32 v0, v21  }
0xe6: {  	v35 =	vld [tilespmem:s30+$0xFFFFFFC0];
	v20 =	vand.u32 $0x7E, v20;
	v36 =	vadd.s32 v0, v19;
	[tilespmem:v12+s17+$0x0] =	vst.idx.msk $0xffff, v9  }
0xe7: {  	v37 =	vld [tilespmem:s30+$0x0];
	v38 =	vadd.s32 v0, v20;
	[tilespmem:v13+s17+$0x0] =	vst.idx.msk $0xffff, v10  }
0xe8: {  	v41 =	vadd.s32 v2, v7;
	v40 =	vld [tilespmem:s22+$0xFFFFFFE0];
	[tilespmem:v6+s17+$0x0] =	vst.idx.msk $0xffff, v30  }
0xe9: {  	v49 =	vadd.s32 v2, v5;
	v48 =	vld [tilespmem:s22+$0x20];
	[tilespmem:v34+s17+$0x0] =	vst.idx.msk $0xffff, v33  }
0xea: {  	v43 =	vadd.s32 v1, v31;
	[tilespmem:v39+s17+$0x0] =	vst.idx.msk $0xffff, v22;
	v15 =	vld [tilespmem:s30+$0x50]  }
0xeb: {  	v47 =	vadd.s32 v1, v21;
	[tilespmem:v36+s17+$0x0] =	vst.idx.msk $0xffff, v35;
	v46 =	vld [tilespmem:s30+$0xFFFFFF90]  }
0xec: {  	v44 =	vadd.s32 v1, v19;
	[tilespmem:v38+s17+$0x0] =	vst.idx.msk $0xffff, v37;
	v11 =	vld [tilespmem:s30+$0xFFFFFFD0]  }
0xed: {  	v45 =	vadd.s32 v1, v20;
	[tilespmem:v41+s17+$0x0] =	vst.idx.msk $0xffff, v40;
	v9 =	vld [tilespmem:s30+$0x10]  }
0xee: {  	v8 =	vadd.s32 v3, v8;
	v42 =	vld [tilespmem:s22+$0x70];
	[tilespmem:v49+s17+$0x0] =	vst.idx.msk $0xffff, v48  }
0xef: {  	v5 =	vadd.s32 v3, v5;
	v13 =	vld [tilespmem:s22+$0x30];
	[tilespmem:v43+s17+$0x0] =	vst.idx.msk $0xffff, v15  }
0xf0: {  	v52 =	vadd.s32 v2, v31;
	[tilespmem:v47+s17+$0x0] =	vst.idx.msk $0xffff, v46;
	v15 =	vld [tilespmem:s30+$0x60]  }
0xf1: {  	v57 =	vadd.s32 v2, v21;
	[tilespmem:v44+s17+$0x0] =	vst.idx.msk $0xffff, v11;
	v56 =	vld [tilespmem:s30+$0xFFFFFFA0]  }
0xf2: {  	v53 =	vadd.s32 v2, v19;
	[tilespmem:v45+s17+$0x0] =	vst.idx.msk $0xffff, v9;
	v11 =	vld [tilespmem:s30+$0xFFFFFFE0]  }
0xf3: {  	v55 =	vadd.s32 v2, v20;
	[tilespmem:v8+s17+$0x0] =	vst.idx.msk $0xffff, v42;
	v54 =	vld [tilespmem:s30+$0x20]  }
0xf4: {  	v4 =	vadd.s32 v3, v4;
	v58 =	vld [tilespmem:s22+$0xFFFFFFB0];
	[tilespmem:v5+s17+$0x0] =	vst.idx.msk $0xffff, v13  }
0xf5: {  	v51 =	vadd.s32 v3, v7;
	v50 =	vld [tilespmem:s22+$0xFFFFFFF0];
	[tilespmem:v52+s17+$0x0] =	vst.idx.msk $0xffff, v15  }
0xf6: {  	v60 =	vadd.s32 v3, v31;
	[tilespmem:v57+s17+$0x0] =	vst.idx.msk $0xffff, v56;
	v59 =	vld [tilespmem:s30+$0x70]  }
0xf7: {  	v63 =	vadd.s32 v3, v21;
	[tilespmem:v53+s17+$0x0] =	vst.idx.msk $0xffff, v11;
	v5 =	vld [tilespmem:s30+$0xFFFFFFB0]  }
0xf8: {  	v61 =	vadd.s32 v3, v19;
	[tilespmem:v55+s17+$0x0] =	vst.idx.msk $0xffff, v54;
	v11 =	vld [tilespmem:s30+$0xFFFFFFF0]  }
0xf9: {  	v62 =	vadd.s32 v3, v20;
	[tilespmem:v4+s17+$0x0] =	vst.idx.msk $0xffff, v58;
	v6 =	vld [tilespmem:s30+$0x30]  }
0xfa: {  	[tilespmem:v51+s17+$0x0] =	vst.idx.msk $0xffff, v50  }
0xfb: {  	s24 =	sshll.u32 s21, $0x7;
	[tilespmem:v60+s17+$0x0] =	vst.idx.msk $0xffff, v59  }
0xfc: {  	s25 =	sshll.u32 s21, $0xA;
	s22 =	sand.u32 $0x3F80, s24;
	[tilespmem:v63+s17+$0x0] =	vst.idx.msk $0xffff, v5  }
0xfd: {  	s21 =	sand.u32 $0xFFE0000, s25;
	s22 =	sadd.s32 s2, s22;
	[tilespmem:v61+s17+$0x0] =	vst.idx.msk $0xffff, v11  }
0xfe: {  	s26 =	simm.s32 $0x6300;
	s22 =	sadd.s32 s21, s22;
	[tilespmem:v62+s17+$0x0] =	vst.idx.msk $0xffff, v6  }
0xff: {  	[hbm4b:s22+s3] =	stream.linear.scatter [tilespmem:s26], [sflag:$0x4], $0x80, $0x38;
	[tilespmem:$0x8500] =	vst v63  }
0x100: {  	s28 =	simm.s32 $0x6388;
	s29 =	sadd.s32 $0x10, s22  }
0x101: {  	[hbm4b:s29+s3] =	stream.linear.scatter [tilespmem:s28], [sflag:$0x4], $0x80, $0x38;
	[tilespmem:$0x8500] =	vst v63  }
0x102: {  	s23 =	simm.s32 $0x6498;
	s31 =	sadd.s32 $0x20, s22;
	s30 =	simm.s32 $0x6410  }
0x103: {  	[hbm4b:s31+s3] =	stream.linear.scatter [tilespmem:s30], [sflag:$0x4], $0x80, $0x38;
	[tilespmem:$0x8500] =	vst v63  }
0x104: {  	s25 =	simm.s32 $0x6520;
	s21 =	simm.s32 $0x440;
	s24 =	sadd.s32 $0x30, s22  }
0x105: {  	[hbm4b:s24+s3] =	stream.linear.scatter [tilespmem:s23], [sflag:$0x4], $0x80, $0x38;
	[tilespmem:$0x8500] =	vst v63  }
0x106: {  	s26 =	sadd.s32 $0x40, s22;
	s28 =	simm.s32 $0x65A8;
	s29 =	sadd.s32 $0x50, s22  }
0x107: {  	[hbm4b:s26+s3] =	stream.linear.scatter [tilespmem:s25], [sflag:$0x4], $0x80, $0x38;
	[tilespmem:$0x8500] =	vst v63  }
0x108: {  	s30 =	simm.s32 $0x6630;
	s31 =	sadd.s32 $0x60, s22;
	s23 =	simm.s32 $0x2200  }
0x109: {  	[hbm4b:s29+s3] =	stream.linear.scatter [tilespmem:s28], [sflag:$0x4], $0x80, $0x38;
	[tilespmem:$0x8500] =	vst v63  }
0x10a: {  	s24 =	simm.s32 $0x66B8;
	s25 =	sadd.s32 $0x70, s22;
	s22 =	sadd.s32 $0x4000, s22  }
0x10b: {  	[hbm4b:s31+s3] =	stream.linear.scatter [tilespmem:s30], [sflag:$0x4], $0x80, $0x38;
	[tilespmem:$0x8500] =	vst v63  }
.LBB2_13:
0x10c: {  	[hbm4b:s25+s3] =	stream.linear.scatter [tilespmem:s24], [sflag:$0x4], $0x80, $0x38;
	[tilespmem:$0x8500] =	vst v63  }
0x10d: {  	s24 =	smov.u32 s21;
	s21 =	smov.u32 s23  }
0x10e: {  	s26 =	sadd.s32 $0x1100, s23;
	s21 =	sshra.s32 s21, $0x2;
	s25 =	sadd.s32 $0x6300, s24  }
0x10f: {  	[hbm4b:s22+s3] =	stream.linear.scatter [tilespmem:s25], [sflag:$0x4], $0x80, $0x38;
	[tilespmem:$0x8500] =	vst v63  }
0x110: {  	p0 =	sne.s32 s23, $0x7700;
	s23 =	sadd.s32 $0x6388, s24;
	s25 =	sadd.s32 $0x10, s22  }
0x111: {  	[hbm4b:s25+s3] =	stream.linear.scatter [tilespmem:s23], [sflag:$0x4], $0x80, $0x38;
	[tilespmem:$0x8500] =	vst v63  }
0x112: {  	s23 =	sadd.s32 $0x6410, s24;
	s25 =	sadd.s32 $0x20, s22  }
0x113: {  	[hbm4b:s25+s3] =	stream.linear.scatter [tilespmem:s23], [sflag:$0x4], $0x80, $0x38;
	[tilespmem:$0x8500] =	vst v63  }
0x114: {  	s23 =	sadd.s32 $0x6498, s24;
	s25 =	sadd.s32 $0x30, s22  }
0x115: {  	[hbm4b:s25+s3] =	stream.linear.scatter [tilespmem:s23], [sflag:$0x4], $0x80, $0x38;
	[tilespmem:$0x8500] =	vst v63  }
0x116: {  	s23 =	sadd.s32 $0x6520, s24;
	s25 =	sadd.s32 $0x40, s22  }
0x117: {  	[hbm4b:s25+s3] =	stream.linear.scatter [tilespmem:s23], [sflag:$0x4], $0x80, $0x38;
	[tilespmem:$0x8500] =	vst v63  }
.Ltmp6:
0x118: {  	s23 =	sadd.s32 $0x65A8, s24;
	s25 =	sadd.s32 $0x50, s22;
	(pc) =	sbr.rel @p0 .LBB2_13-.Ltmp6, $4  }
0x119: {  	[hbm4b:s25+s3] =	stream.linear.scatter [tilespmem:s23], [sflag:$0x4], $0x80, $0x38;
	[tilespmem:$0x8500] =	vst v63  }
0x11a: {  	s23 =	sadd.s32 $0x6630, s24;
	s25 =	sadd.s32 $0x60, s22;
	s24 =	sadd.s32 $0x66B8, s24  }
0x11b: {  	[hbm4b:s25+s3] =	stream.linear.scatter [tilespmem:s23], [sflag:$0x4], $0x80, $0x38;
	[tilespmem:$0x8500] =	vst v63  }
0x11c: {  	s25 =	sadd.s32 $0x70, s22;
	s22 =	sadd.s32 $0x4000, s22;
	s23 =	smov.u32 s26  }
0x11d: {  	[hbm4b:s25+s3] =	stream.linear.scatter [tilespmem:s24], [sflag:$0x4], $0x80, $0x38;
	[tilespmem:$0x8500] =	vst v63  }
0x11e: {  	s23 =	sadd.s32 $0x6300, s21  }
0x11f: {  	[hbm4b:s22+s3] =	stream.linear.scatter [tilespmem:s23], [sflag:$0x4], $0x80, $0x38;
	[tilespmem:$0x8500] =	vst v63  }
0x120: {  	s30 =	sadd.s32 $0x6388, s21;
	s31 =	sadd.s32 $0x10, s22  }
0x121: {  	[hbm4b:s31+s3] =	stream.linear.scatter [tilespmem:s30], [sflag:$0x4], $0x80, $0x38;
	[tilespmem:$0x8500] =	vst v63  }
0x122: {  	s25 =	sadd.s32 $0x6410, s21;
	s26 =	sadd.s32 $0x20, s22  }
0x123: {  	[hbm4b:s26+s3] =	stream.linear.scatter [tilespmem:s25], [sflag:$0x4], $0x80, $0x38;
	[tilespmem:$0x8500] =	vst v63  }
0x124: {  	s28 =	sadd.s32 $0x6498, s21;
	s29 =	sadd.s32 $0x30, s22  }
0x125: {  	[hbm4b:s29+s3] =	stream.linear.scatter [tilespmem:s28], [sflag:$0x4], $0x80, $0x38;
	[tilespmem:$0x8500] =	vst v63  }
0x126: {  	s20 =	sadd.s32 $0x1, s20;
	s30 =	sadd.s32 $0x6520, s21;
	s31 =	sadd.s32 $0x40, s22  }
0x127: {  	[hbm4b:s31+s3] =	stream.linear.scatter [tilespmem:s30], [sflag:$0x4], $0x80, $0x38;
	[tilespmem:$0x8500] =	vst v63  }
0x128: {  	p0 =	sne.s32 s20, $0x64;
	s25 =	sadd.s32 $0x65A8, s21;
	s26 =	sadd.s32 $0x50, s22  }
0x129: {  	[hbm4b:s26+s3] =	stream.linear.scatter [tilespmem:s25], [sflag:$0x4], $0x80, $0x38;
	[tilespmem:$0x8500] =	vst v63  }
.Ltmp7:
0x12a: {  	_ = 	snop;
	(pc) =	sbr.rel @p0 .LBB2_2-.Ltmp7, $4  }
0x12b: {  	s28 =	sadd.s32 $0x6630, s21;
	s29 =	sadd.s32 $0x60, s22  }
0x12c: {  	[hbm4b:s29+s3] =	stream.linear.scatter [tilespmem:s28], [sflag:$0x4], $0x80, $0x38;
	[tilespmem:$0x8500] =	vst v63  }
0x12d: {  	s30 =	sadd.s32 $0x66B8, s21;
	s31 =	sadd.s32 $0x70, s22  }
0x12e: {  	[hbm4b:s31+s3] =	stream.linear.scatter [tilespmem:s30], [sflag:$0x4], $0x80, $0x38;
	[tilespmem:$0x8500] =	vst v63  }
0x12f: {  	s19 =	sadd.s32 $0x1, s19  }
0x130: {  	_ =	swait.ge [sflag:s18], $0x2000;
	p0 =	sne.s32 s19, s8  }
.Ltmp8:
0x131: {  	[sflag:s18] =	ssyncset.done $0x0;
	(pc) =	sbr.rel @p0 .LBB2_1-.Ltmp8, $4  }
0x132: {  	[sflag:s18] =	ssyncadd.s32 $0xFFFFE000  }
0x133: {  	_ =	swait.ge [sflag:s16], $0x2000  }
0x134: {  	[sflag:s16] =	ssyncset.done $0x0  }
0x135: {  	[sflag:s16] =	ssyncadd.s32 $0xFFFFE000  }
0x136: {  	_ =	sfence.sel $0x180000  }
0x137: {  	[bflag:$0x0] =	sbarrier.arrive $0xFFFF  }
0x138: {  	p0 =	sne.s32 s0, $0x0;
	_ =	strace $0x90000047  }
0x139: {  	s0 =	sadd.s32 @!p0 $0x100000, s1;
	[bflag:$0x2] =	sbarrier.arrive $0xFFFF  }
0x13a: {  	[sflag:s0] =	ssyncadd.tile.s32 @!p0 $0x1;
	_ =	shalt  }
.Lfunc_end2:
_tile_overlayer_lowered:
.L_overlay_start_2:
0x13b: {  	(tag) =	ssettag $0x2  }
0x13c: {  	s0 =	rddreg [dreg:$0x0];
	s2 =	stileid.u32  }
0x13d: {  	s1 =	rddreg [dreg:$0x1];
	p0 =	sne.s32 s2, $0x0  }
0x13e: {  	s3 =	rddreg [dreg:$0x2];
	[bflag:$0x3] =	sbarrier.arrive $0xFFFF;
	s2 =	simm.s32 @!p0 $0x1C05  }
0x13f: {  	[timem:s3], [sflag:s2] =	dma.local @!p0 [hbm:s0], s1  }
0x140: {  	s0 =	simm.s32 @!p0 $0x5  }
0x141: {  	_ =	swait.ge @!p0 [sflag:s0], s1  }
0x142: {  	s1 =	ssub.s32 @!p0 $0x0, s1;
	[sflag:s0] =	ssyncset.done @!p0 $0x0  }
0x143: {  	[sflag:s0] =	ssyncadd.s32 @!p0 s1  }
0x144: {  	[bflag:$0x3] =	sbarrier.arrive $0xFFFF  }
0x145: {  	_ =	shalt  }

</sc_bundles>
